<compile_context>
chip_gen: v7x
topology: tpu7x:2x2x1
jax: 0.10.2.dev20260603
libtpu: 0.0.44.dev20260713+nightly
codegen_flags: <defaults>
</compile_context>

<pallas_src>
import functools
import math

import jax
import jax.numpy as jnp
from jax import lax
from jax.experimental import pallas as pl
from jax.experimental.pallas import tpu as pltpu
from jax.experimental.pallas import tpu_sc as plsc

_EMB_DIM = 128
_D_MODEL = 512
_N_ROWS = 50 * 1024

_NC = 2
_NS = 16
_NW = _NC * _NS
_CHUNK = 80
_RING = 9

_NSPLIT = 1
_BM = 6400

_L = 16


def _make_sc_body(ncch):
    rows_per_w = ncch * _CHUNK

    def body(table, idx_hbm, out_hbm, idx_v, *rest):
        bufs = rest[:_RING]
        gsems = rest[_RING:2 * _RING]
        osems = rest[2 * _RING:3 * _RING]
        wid = lax.axis_index("s") * _NC + lax.axis_index("c")
        pltpu.sync_copy(idx_hbm.at[wid], idx_v)
        base = wid * rows_per_w
        g = [None] * _RING
        o = [None] * _RING
        for j in range(ncch + _RING - 1):
            if j < ncch:
                p = j % _RING
                if o[p] is not None:
                    o[p].wait()
                g[p] = pltpu.async_copy(
                    table.at[idx_v.at[j]], bufs[p], gsems[p])
            d = j - (_RING - 1)
            if d >= 0:
                p = d % _RING
                g[p].wait()
                o[p] = pltpu.async_copy(
                    bufs[p], out_hbm.at[pl.ds(base + d * _CHUNK, _CHUNK)],
                    osems[p])
        for oc in o:
            if oc is not None:
                oc.wait()

    return body


def _sc_gather(table, idx3):
    nw, ncch, chunk = idx3.shape
    rows = nw * ncch * chunk
    mesh = plsc.VectorSubcoreMesh(
        core_axis_name="c", subcore_axis_name="s",
        num_cores=_NC, num_subcores=_NS)
    return pl.kernel(
        _make_sc_body(ncch),
        out_type=jax.ShapeDtypeStruct((rows, _EMB_DIM), jnp.float32),
        mesh=mesh,
        scratch_types=(
            [pltpu.VMEM((ncch, chunk), jnp.int32)]
            + [pltpu.VMEM((chunk, _EMB_DIM), jnp.float32)] * _RING
            + [pltpu.SemaphoreType.DMA] * (2 * _RING)
        ),
    )(table, idx3)


def _mm_body(x_ref, w_ref, b_ref, o_ref):
    o_ref[...] = jnp.dot(
        x_ref[...], w_ref[...],
        preferred_element_type=jnp.float32) + b_ref[...]


def _mm_body_alias(x_ref, w_ref, b_ref, prev_ref, o_ref):
    del prev_ref
    o_ref[...] = jnp.dot(
        x_ref[...], w_ref[...],
        preferred_element_type=jnp.float32) + b_ref[...]


def _tc_matmul_chunk(x, w2, b2, prev, c, csteps):
    ins = [x, w2, b2]
    in_specs = [
        pl.BlockSpec((_BM, _EMB_DIM), lambda i: (i, 0)),
        pl.BlockSpec((_EMB_DIM, _D_MODEL), lambda i: (0, 0)),
        pl.BlockSpec((1, _D_MODEL), lambda i: (0, 0)),
    ]
    io_alias = {}
    body = _mm_body
    if prev is not None:
        ins.append(prev)
        in_specs.append(pl.BlockSpec(memory_space=pl.ANY))
        io_alias = {3: 0}
        body = _mm_body_alias
    return pl.pallas_call(
        body,
        grid=(csteps,),
        in_specs=in_specs,
        out_specs=pl.BlockSpec(
            (_BM, _D_MODEL), lambda i, c=c, s=csteps: (c * s + i, 0)),
        out_shape=jax.ShapeDtypeStruct((_N_ROWS, _D_MODEL), jnp.float32),
        input_output_aliases=io_alias,
        compiler_params=pltpu.CompilerParams(
            dimension_semantics=("parallel",)),
    )(*ins)


def kernel(persona, persona_pad_mask, emb_table, W, b):
    del persona_pad_mask
    seq, batch = persona.shape
    rows_c = _N_ROWS // _NSPLIT
    ncch = rows_c // _NW // _CHUNK
    csteps = rows_c // _BM
    idx = persona.reshape(_NSPLIT, _NW, ncch, _CHUNK)
    w2 = W.T * jnp.float32(math.sqrt(_EMB_DIM))
    b2 = b.reshape(1, _D_MODEL)
    xs = [_sc_gather(emb_table, idx[c]) for c in range(_NSPLIT)]
    out = None
    for c in range(_NSPLIT):
        out = _tc_matmul_chunk(xs[c], w2, b2, out, c, csteps)
    return out.reshape(seq, batch, _D_MODEL)

# --- scband reference (transcript-rebuilt; emitter-appended) ---
"""Pipeline reference for scband-persona-emb-80496277062435 (READ-ONLY COPY).

The authoritative reference and input builder live on the scoring server;
editing this copy changes nothing except your own understanding.
"""

import jax, jax.numpy as jnp
import numpy as np
import math

EMB_DIM = 128
VOCAB = 100000
D_MODEL = 512
SEQ = 50
BATCH = 1024
PAD_IDX = 0

def setup_inputs(seed: int = 0) -> dict:
    key = jax.random.key(seed)
    k1, k2, k3 = jax.random.split(key, 3)
    persona = jax.random.randint(k1, (SEQ, BATCH), 0, VOCAB, dtype=jnp.int32)
    persona_pad_mask = jnp.zeros((SEQ, BATCH), dtype=bool)
    emb_table = jax.random.normal(k2, (VOCAB, EMB_DIM), dtype=jnp.float32) * 0.02
    emb_table = emb_table.at[PAD_IDX].set(0.0)  # nn.Embedding padding_idx row is zero
    W = jax.random.normal(k3, (D_MODEL, EMB_DIM), dtype=jnp.float32) * (1.0 / math.sqrt(EMB_DIM))
    b = jnp.zeros((D_MODEL,), dtype=jnp.float32)
    return {"persona": persona, "persona_pad_mask": persona_pad_mask, "emb_table": emb_table, "W": W, "b": b}

def reference(persona, persona_pad_mask, emb_table, W, b):
    # orig_emb: embedding lookup scaled by sqrt(emb_dim)
    emb = jnp.take(emb_table, persona, axis=0) * jnp.float32(math.sqrt(EMB_DIM))
    # proj: Linear(emb_dim -> d_model); dropout is identity at inference
    out = jnp.matmul(emb, W.T) + b
    return out

if __name__ == "__main__":
    import jax
    _d = setup_inputs()
    print(jax.jit(kernel)(*tuple(_d.values())))

</pallas_src>

<mosaic_0001>
#map = affine_map<(d0, d1) -> (0, 0)>
#map1 = affine_map<(d0, d1) -> (0, 0, 0)>
module attributes {stable_mosaic.version = 14 : i64} {
  func.func @body(%arg0: i32, %arg1: i32, %arg2: memref<100000x128xf32, #tpu.memory_space<hbm>>, %arg3: memref<32x20x80xi32, #tpu.memory_space<hbm>>, %arg4: memref<51200x128xf32, #tpu.memory_space<hbm>>, %arg5: memref<20x80xi32, #tpu.memory_space<vmem>>, %arg6: memref<80x128xf32, #tpu.memory_space<vmem>>, %arg7: memref<80x128xf32, #tpu.memory_space<vmem>>, %arg8: memref<80x128xf32, #tpu.memory_space<vmem>>, %arg9: memref<80x128xf32, #tpu.memory_space<vmem>>, %arg10: memref<80x128xf32, #tpu.memory_space<vmem>>, %arg11: memref<80x128xf32, #tpu.memory_space<vmem>>, %arg12: memref<80x128xf32, #tpu.memory_space<vmem>>, %arg13: memref<80x128xf32, #tpu.memory_space<vmem>>, %arg14: memref<80x128xf32, #tpu.memory_space<vmem>>, %arg15: memref<!tpu.dma_semaphore, #tpu.memory_space<semaphore_mem>>, %arg16: memref<!tpu.dma_semaphore, #tpu.memory_space<semaphore_mem>>, %arg17: memref<!tpu.dma_semaphore, #tpu.memory_space<semaphore_mem>>, %arg18: memref<!tpu.dma_semaphore, #tpu.memory_space<semaphore_mem>>, %arg19: memref<!tpu.dma_semaphore, #tpu.memory_space<semaphore_mem>>, %arg20: memref<!tpu.dma_semaphore, #tpu.memory_space<semaphore_mem>>, %arg21: memref<!tpu.dma_semaphore, #tpu.memory_space<semaphore_mem>>, %arg22: memref<!tpu.dma_semaphore, #tpu.memory_space<semaphore_mem>>, %arg23: memref<!tpu.dma_semaphore, #tpu.memory_space<semaphore_mem>>, %arg24: memref<!tpu.dma_semaphore, #tpu.memory_space<semaphore_mem>>, %arg25: memref<!tpu.dma_semaphore, #tpu.memory_space<semaphore_mem>>, %arg26: memref<!tpu.dma_semaphore, #tpu.memory_space<semaphore_mem>>, %arg27: memref<!tpu.dma_semaphore, #tpu.memory_space<semaphore_mem>>, %arg28: memref<!tpu.dma_semaphore, #tpu.memory_space<semaphore_mem>>, %arg29: memref<!tpu.dma_semaphore, #tpu.memory_space<semaphore_mem>>, %arg30: memref<!tpu.dma_semaphore, #tpu.memory_space<semaphore_mem>>, %arg31: memref<!tpu.dma_semaphore, #tpu.memory_space<semaphore_mem>>, %arg32: memref<!tpu.dma_semaphore, #tpu.memory_space<semaphore_mem>>) attributes {dimension_semantics = [#tpu.dimension_semantics<core_parallel>, #tpu.dimension_semantics<subcore_parallel>], iteration_bounds = array<i64: 2, 16>, scalar_prefetch = 0 : i64, scratch_operands = 28 : i64, tpu.core_type = #tpu.core_type<sc_vector_subcore>, window_params = [{transform_indices = #map}, {transform_indices = #map1}, {transform_indices = #map}]} {
    %mul3A = arith.constant 2 : i32
    %mul3A_0 = arith.muli %arg1, %mul3A : i32
    %add3A = arith.addi %mul3A_0, %arg0 : i32
    "tpu.region"() ({
      %run_scoped3A = tpu.sem_alloc : memref<!tpu.dma_semaphore, #tpu.memory_space<semaphore_mem>>
      %dma_start3A_481 = arith.constant 0 : i32
      %dma_start3A_482 = arith.constant 0 : i32
      %dma_start3A_483 = tpu.memref_slice %arg3[%add3A, %dma_start3A_481, %dma_start3A_482] : memref<32x20x80xi32, #tpu.memory_space<hbm>> -> memref<1x20x80xi32, #tpu.memory_space<hbm>>
      %dma_start3A_484 = tpu.memref_squeeze %dma_start3A_483 : memref<1x20x80xi32, #tpu.memory_space<hbm>> -> memref<20x80xi32, #tpu.memory_space<hbm>>
      %dma_start3A_485 = arith.constant 0 : i32
      %dma_start3A_486 = arith.constant 0 : i32
      %dma_start3A_487 = tpu.memref_slice %arg3[%add3A, %dma_start3A_485, %dma_start3A_486] : memref<32x20x80xi32, #tpu.memory_space<hbm>> -> memref<1x20x80xi32, #tpu.memory_space<hbm>>
      %dma_start3A_488 = tpu.memref_squeeze %dma_start3A_487 : memref<1x20x80xi32, #tpu.memory_space<hbm>> -> memref<20x80xi32, #tpu.memory_space<hbm>>
      tpu.enqueue_dma source(%dma_start3A_488 : memref<20x80xi32, #tpu.memory_space<hbm>>) target(%arg5 : memref<20x80xi32, #tpu.memory_space<vmem>>) target_semaphore(%run_scoped3A : memref<!tpu.dma_semaphore, #tpu.memory_space<semaphore_mem>>)
      %dma_wait3A_489 = arith.constant 0 : i32
      %dma_wait3A_490 = arith.constant 0 : i32
      %dma_wait3A_491 = tpu.memref_slice %arg3[%add3A, %dma_wait3A_489, %dma_wait3A_490] : memref<32x20x80xi32, #tpu.memory_space<hbm>> -> memref<1x20x80xi32, #tpu.memory_space<hbm>>
      %dma_wait3A_492 = tpu.memref_squeeze %dma_wait3A_491 : memref<1x20x80xi32, #tpu.memory_space<hbm>> -> memref<20x80xi32, #tpu.memory_space<hbm>>
      %dma_wait3A_493 = arith.constant 0 : i32
      %dma_wait3A_494 = arith.constant 0 : i32
      %dma_wait3A_495 = tpu.memref_slice %arg3[%add3A, %dma_wait3A_493, %dma_wait3A_494] : memref<32x20x80xi32, #tpu.memory_space<hbm>> -> memref<1x20x80xi32, #tpu.memory_space<hbm>>
      %dma_wait3A_496 = tpu.memref_squeeze %dma_wait3A_495 : memref<1x20x80xi32, #tpu.memory_space<hbm>> -> memref<20x80xi32, #tpu.memory_space<hbm>>
      tpu.wait_dma2 semaphore(%run_scoped3A : memref<!tpu.dma_semaphore, #tpu.memory_space<semaphore_mem>>) src(%dma_wait3A_496 : memref<20x80xi32, #tpu.memory_space<hbm>>) dst(%arg5 : memref<20x80xi32, #tpu.memory_space<vmem>>)
      tpu.yield
    }) : () -> ()
    %mul3A_1 = arith.constant 1600 : i32
    %mul3A_2 = arith.muli %add3A, %mul3A_1 : i32
    %dma_start3A = arith.constant 0 : i32
    %dma_start3A_3 = arith.constant 0 : i32
    %dma_start3A_4 = tpu.memref_slice %arg5[%dma_start3A, %dma_start3A_3] : memref<20x80xi32, #tpu.memory_space<vmem>> -> memref<1x80xi32, #tpu.memory_space<vmem>>
    %dma_start3A_5 = tpu.memref_squeeze %dma_start3A_4 : memref<1x80xi32, #tpu.memory_space<vmem>> -> memref<80xi32, #tpu.memory_space<vmem>>
    %dma_start3A_6 = arith.constant 0 : i32
    %dma_start3A_7 = arith.constant 0 : i32
    %dma_start3A_8 = tpu.memref_slice %arg2[%dma_start3A_6, %dma_start3A_7] : memref<100000x128xf32, #tpu.memory_space<hbm>> -> memref<100000x128xf32, #tpu.memory_space<hbm>>
    tpu.enqueue_indirect_dma source(%dma_start3A_8 : memref<100000x128xf32, #tpu.memory_space<hbm>>) target(%arg6 : memref<80x128xf32, #tpu.memory_space<vmem>>) offsets(%dma_start3A_5 : memref<80xi32, #tpu.memory_space<vmem>>) semaphore(%arg15 : memref<!tpu.dma_semaphore, #tpu.memory_space<semaphore_mem>>)
    %dma_start3A_9 = arith.constant 1 : i32
    %dma_start3A_10 = arith.constant 0 : i32
    %dma_start3A_11 = tpu.memref_slice %arg5[%dma_start3A_9, %dma_start3A_10] : memref<20x80xi32, #tpu.memory_space<vmem>> -> memref<1x80xi32, #tpu.memory_space<vmem>>
    %dma_start3A_12 = tpu.memref_squeeze %dma_start3A_11 : memref<1x80xi32, #tpu.memory_space<vmem>> -> memref<80xi32, #tpu.memory_space<vmem>>
    %dma_start3A_13 = arith.constant 0 : i32
    %dma_start3A_14 = arith.constant 0 : i32
    %dma_start3A_15 = tpu.memref_slice %arg2[%dma_start3A_13, %dma_start3A_14] : memref<100000x128xf32, #tpu.memory_space<hbm>> -> memref<100000x128xf32, #tpu.memory_space<hbm>>
    tpu.enqueue_indirect_dma source(%dma_start3A_15 : memref<100000x128xf32, #tpu.memory_space<hbm>>) target(%arg7 : memref<80x128xf32, #tpu.memory_space<vmem>>) offsets(%dma_start3A_12 : memref<80xi32, #tpu.memory_space<vmem>>) semaphore(%arg16 : memref<!tpu.dma_semaphore, #tpu.memory_space<semaphore_mem>>)
    %dma_start3A_16 = arith.constant 2 : i32
    %dma_start3A_17 = arith.constant 0 : i32
    %dma_start3A_18 = tpu.memref_slice %arg5[%dma_start3A_16, %dma_start3A_17] : memref<20x80xi32, #tpu.memory_space<vmem>> -> memref<1x80xi32, #tpu.memory_space<vmem>>
    %dma_start3A_19 = tpu.memref_squeeze %dma_start3A_18 : memref<1x80xi32, #tpu.memory_space<vmem>> -> memref<80xi32, #tpu.memory_space<vmem>>
    %dma_start3A_20 = arith.constant 0 : i32
    %dma_start3A_21 = arith.constant 0 : i32
    %dma_start3A_22 = tpu.memref_slice %arg2[%dma_start3A_20, %dma_start3A_21] : memref<100000x128xf32, #tpu.memory_space<hbm>> -> memref<100000x128xf32, #tpu.memory_space<hbm>>
    tpu.enqueue_indirect_dma source(%dma_start3A_22 : memref<100000x128xf32, #tpu.memory_space<hbm>>) target(%arg8 : memref<80x128xf32, #tpu.memory_space<vmem>>) offsets(%dma_start3A_19 : memref<80xi32, #tpu.memory_space<vmem>>) semaphore(%arg17 : memref<!tpu.dma_semaphore, #tpu.memory_space<semaphore_mem>>)
    %dma_start3A_23 = arith.constant 3 : i32
    %dma_start3A_24 = arith.constant 0 : i32
    %dma_start3A_25 = tpu.memref_slice %arg5[%dma_start3A_23, %dma_start3A_24] : memref<20x80xi32, #tpu.memory_space<vmem>> -> memref<1x80xi32, #tpu.memory_space<vmem>>
    %dma_start3A_26 = tpu.memref_squeeze %dma_start3A_25 : memref<1x80xi32, #tpu.memory_space<vmem>> -> memref<80xi32, #tpu.memory_space<vmem>>
    %dma_start3A_27 = arith.constant 0 : i32
    %dma_start3A_28 = arith.constant 0 : i32
    %dma_start3A_29 = tpu.memref_slice %arg2[%dma_start3A_27, %dma_start3A_28] : memref<100000x128xf32, #tpu.memory_space<hbm>> -> memref<100000x128xf32, #tpu.memory_space<hbm>>
    tpu.enqueue_indirect_dma source(%dma_start3A_29 : memref<100000x128xf32, #tpu.memory_space<hbm>>) target(%arg9 : memref<80x128xf32, #tpu.memory_space<vmem>>) offsets(%dma_start3A_26 : memref<80xi32, #tpu.memory_space<vmem>>) semaphore(%arg18 : memref<!tpu.dma_semaphore, #tpu.memory_space<semaphore_mem>>)
    %dma_start3A_30 = arith.constant 4 : i32
    %dma_start3A_31 = arith.constant 0 : i32
    %dma_start3A_32 = tpu.memref_slice %arg5[%dma_start3A_30, %dma_start3A_31] : memref<20x80xi32, #tpu.memory_space<vmem>> -> memref<1x80xi32, #tpu.memory_space<vmem>>
    %dma_start3A_33 = tpu.memref_squeeze %dma_start3A_32 : memref<1x80xi32, #tpu.memory_space<vmem>> -> memref<80xi32, #tpu.memory_space<vmem>>
    %dma_start3A_34 = arith.constant 0 : i32
    %dma_start3A_35 = arith.constant 0 : i32
    %dma_start3A_36 = tpu.memref_slice %arg2[%dma_start3A_34, %dma_start3A_35] : memref<100000x128xf32, #tpu.memory_space<hbm>> -> memref<100000x128xf32, #tpu.memory_space<hbm>>
    tpu.enqueue_indirect_dma source(%dma_start3A_36 : memref<100000x128xf32, #tpu.memory_space<hbm>>) target(%arg10 : memref<80x128xf32, #tpu.memory_space<vmem>>) offsets(%dma_start3A_33 : memref<80xi32, #tpu.memory_space<vmem>>) semaphore(%arg19 : memref<!tpu.dma_semaphore, #tpu.memory_space<semaphore_mem>>)
    %dma_start3A_37 = arith.constant 5 : i32
    %dma_start3A_38 = arith.constant 0 : i32
    %dma_start3A_39 = tpu.memref_slice %arg5[%dma_start3A_37, %dma_start3A_38] : memref<20x80xi32, #tpu.memory_space<vmem>> -> memref<1x80xi32, #tpu.memory_space<vmem>>
    %dma_start3A_40 = tpu.memref_squeeze %dma_start3A_39 : memref<1x80xi32, #tpu.memory_space<vmem>> -> memref<80xi32, #tpu.memory_space<vmem>>
    %dma_start3A_41 = arith.constant 0 : i32
    %dma_start3A_42 = arith.constant 0 : i32
    %dma_start3A_43 = tpu.memref_slice %arg2[%dma_start3A_41, %dma_start3A_42] : memref<100000x128xf32, #tpu.memory_space<hbm>> -> memref<100000x128xf32, #tpu.memory_space<hbm>>
    tpu.enqueue_indirect_dma source(%dma_start3A_43 : memref<100000x128xf32, #tpu.memory_space<hbm>>) target(%arg11 : memref<80x128xf32, #tpu.memory_space<vmem>>) offsets(%dma_start3A_40 : memref<80xi32, #tpu.memory_space<vmem>>) semaphore(%arg20 : memref<!tpu.dma_semaphore, #tpu.memory_space<semaphore_mem>>)
    %dma_start3A_44 = arith.constant 6 : i32
    %dma_start3A_45 = arith.constant 0 : i32
    %dma_start3A_46 = tpu.memref_slice %arg5[%dma_start3A_44, %dma_start3A_45] : memref<20x80xi32, #tpu.memory_space<vmem>> -> memref<1x80xi32, #tpu.memory_space<vmem>>
    %dma_start3A_47 = tpu.memref_squeeze %dma_start3A_46 : memref<1x80xi32, #tpu.memory_space<vmem>> -> memref<80xi32, #tpu.memory_space<vmem>>
    %dma_start3A_48 = arith.constant 0 : i32
    %dma_start3A_49 = arith.constant 0 : i32
    %dma_start3A_50 = tpu.memref_slice %arg2[%dma_start3A_48, %dma_start3A_49] : memref<100000x128xf32, #tpu.memory_space<hbm>> -> memref<100000x128xf32, #tpu.memory_space<hbm>>
    tpu.enqueue_indirect_dma source(%dma_start3A_50 : memref<100000x128xf32, #tpu.memory_space<hbm>>) target(%arg12 : memref<80x128xf32, #tpu.memory_space<vmem>>) offsets(%dma_start3A_47 : memref<80xi32, #tpu.memory_space<vmem>>) semaphore(%arg21 : memref<!tpu.dma_semaphore, #tpu.memory_space<semaphore_mem>>)
    %dma_start3A_51 = arith.constant 7 : i32
    %dma_start3A_52 = arith.constant 0 : i32
    %dma_start3A_53 = tpu.memref_slice %arg5[%dma_start3A_51, %dma_start3A_52] : memref<20x80xi32, #tpu.memory_space<vmem>> -> memref<1x80xi32, #tpu.memory_space<vmem>>
    %dma_start3A_54 = tpu.memref_squeeze %dma_start3A_53 : memref<1x80xi32, #tpu.memory_space<vmem>> -> memref<80xi32, #tpu.memory_space<vmem>>
    %dma_start3A_55 = arith.constant 0 : i32
    %dma_start3A_56 = arith.constant 0 : i32
    %dma_start3A_57 = tpu.memref_slice %arg2[%dma_start3A_55, %dma_start3A_56] : memref<100000x128xf32, #tpu.memory_space<hbm>> -> memref<100000x128xf32, #tpu.memory_space<hbm>>
    tpu.enqueue_indirect_dma source(%dma_start3A_57 : memref<100000x128xf32, #tpu.memory_space<hbm>>) target(%arg13 : memref<80x128xf32, #tpu.memory_space<vmem>>) offsets(%dma_start3A_54 : memref<80xi32, #tpu.memory_space<vmem>>) semaphore(%arg22 : memref<!tpu.dma_semaphore, #tpu.memory_space<semaphore_mem>>)
    %dma_start3A_58 = arith.constant 8 : i32
    %dma_start3A_59 = arith.constant 0 : i32
    %dma_start3A_60 = tpu.memref_slice %arg5[%dma_start3A_58, %dma_start3A_59] : memref<20x80xi32, #tpu.memory_space<vmem>> -> memref<1x80xi32, #tpu.memory_space<vmem>>
    %dma_start3A_61 = tpu.memref_squeeze %dma_start3A_60 : memref<1x80xi32, #tpu.memory_space<vmem>> -> memref<80xi32, #tpu.memory_space<vmem>>
    %dma_start3A_62 = arith.constant 0 : i32
    %dma_start3A_63 = arith.constant 0 : i32
    %dma_start3A_64 = tpu.memref_slice %arg2[%dma_start3A_62, %dma_start3A_63] : memref<100000x128xf32, #tpu.memory_space<hbm>> -> memref<100000x128xf32, #tpu.memory_space<hbm>>
    tpu.enqueue_indirect_dma source(%dma_start3A_64 : memref<100000x128xf32, #tpu.memory_space<hbm>>) target(%arg14 : memref<80x128xf32, #tpu.memory_space<vmem>>) offsets(%dma_start3A_61 : memref<80xi32, #tpu.memory_space<vmem>>) semaphore(%arg23 : memref<!tpu.dma_semaphore, #tpu.memory_space<semaphore_mem>>)
    %dma_wait3A = arith.constant 0 : i32
    %dma_wait3A_65 = arith.constant 0 : i32
    %dma_wait3A_66 = tpu.memref_slice %arg5[%dma_wait3A, %dma_wait3A_65] : memref<20x80xi32, #tpu.memory_space<vmem>> -> memref<1x80xi32, #tpu.memory_space<vmem>>
    %dma_wait3A_67 = tpu.memref_squeeze %dma_wait3A_66 : memref<1x80xi32, #tpu.memory_space<vmem>> -> memref<80xi32, #tpu.memory_space<vmem>>
    %dma_wait3A_68 = arith.constant 0 : i32
    %dma_wait3A_69 = arith.constant 0 : i32
    %dma_wait3A_70 = tpu.memref_slice %arg2[%dma_wait3A_68, %dma_wait3A_69] : memref<100000x128xf32, #tpu.memory_space<hbm>> -> memref<100000x128xf32, #tpu.memory_space<hbm>>
    tpu.wait_indirect_dma semaphore(%arg15 : memref<!tpu.dma_semaphore, #tpu.memory_space<semaphore_mem>>) src(%dma_wait3A_70 : memref<100000x128xf32, #tpu.memory_space<hbm>>) dst(%arg6 : memref<80x128xf32, #tpu.memory_space<vmem>>)
    %add3A_71 = arith.constant 0 : i32
    %add3A_72 = arith.addi %mul3A_2, %add3A_71 : i32
    %dma_start3A_73 = arith.constant 0 : i32
    %dma_start3A_74 = tpu.memref_slice %arg4[%add3A_72, %dma_start3A_73] : memref<51200x128xf32, #tpu.memory_space<hbm>> -> memref<80x128xf32, #tpu.memory_space<hbm>>
    %dma_start3A_75 = arith.constant 0 : i32
    %dma_start3A_76 = tpu.memref_slice %arg4[%add3A_72, %dma_start3A_75] : memref<51200x128xf32, #tpu.memory_space<hbm>> -> memref<80x128xf32, #tpu.memory_space<hbm>>
    tpu.enqueue_dma source(%arg6 : memref<80x128xf32, #tpu.memory_space<vmem>>) target(%dma_start3A_76 : memref<80x128xf32, #tpu.memory_space<hbm>>) target_semaphore(%arg24 : memref<!tpu.dma_semaphore, #tpu.memory_space<semaphore_mem>>)
    %dma_wait3A_77 = arith.constant 0 : i32
    %dma_wait3A_78 = tpu.memref_slice %arg4[%add3A_72, %dma_wait3A_77] : memref<51200x128xf32, #tpu.memory_space<hbm>> -> memref<80x128xf32, #tpu.memory_space<hbm>>
    %dma_wait3A_79 = arith.constant 0 : i32
    %dma_wait3A_80 = tpu.memref_slice %arg4[%add3A_72, %dma_wait3A_79] : memref<51200x128xf32, #tpu.memory_space<hbm>> -> memref<80x128xf32, #tpu.memory_space<hbm>>
    tpu.wait_dma2 semaphore(%arg24 : memref<!tpu.dma_semaphore, #tpu.memory_space<semaphore_mem>>) src(%arg6 : memref<80x128xf32, #tpu.memory_space<vmem>>) dst(%dma_wait3A_80 : memref<80x128xf32, #tpu.memory_space<hbm>>)
    %dma_start3A_81 = arith.constant 9 : i32
    %dma_start3A_82 = arith.constant 0 : i32
    %dma_start3A_83 = tpu.memref_slice %arg5[%dma_start3A_81, %dma_start3A_82] : memref<20x80xi32, #tpu.memory_space<vmem>> -> memref<1x80xi32, #tpu.memory_space<vmem>>
    %dma_start3A_84 = tpu.memref_squeeze %dma_start3A_83 : memref<1x80xi32, #tpu.memory_space<vmem>> -> memref<80xi32, #tpu.memory_space<vmem>>
    %dma_start3A_85 = arith.constant 0 : i32
    %dma_start3A_86 = arith.constant 0 : i32
    %dma_start3A_87 = tpu.memref_slice %arg2[%dma_start3A_85, %dma_start3A_86] : memref<100000x128xf32, #tpu.memory_space<hbm>> -> memref<100000x128xf32, #tpu.memory_space<hbm>>
    tpu.enqueue_indirect_dma source(%dma_start3A_87 : memref<100000x128xf32, #tpu.memory_space<hbm>>) target(%arg6 : memref<80x128xf32, #tpu.memory_space<vmem>>) offsets(%dma_start3A_84 : memref<80xi32, #tpu.memory_space<vmem>>) semaphore(%arg15 : memref<!tpu.dma_semaphore, #tpu.memory_space<semaphore_mem>>)
    %dma_wait3A_88 = arith.constant 1 : i32
    %dma_wait3A_89 = arith.constant 0 : i32
    %dma_wait3A_90 = tpu.memref_slice %arg5[%dma_wait3A_88, %dma_wait3A_89] : memref<20x80xi32, #tpu.memory_space<vmem>> -> memref<1x80xi32, #tpu.memory_space<vmem>>
    %dma_wait3A_91 = tpu.memref_squeeze %dma_wait3A_90 : memref<1x80xi32, #tpu.memory_space<vmem>> -> memref<80xi32, #tpu.memory_space<vmem>>
    %dma_wait3A_92 = arith.constant 0 : i32
    %dma_wait3A_93 = arith.constant 0 : i32
    %dma_wait3A_94 = tpu.memref_slice %arg2[%dma_wait3A_92, %dma_wait3A_93] : memref<100000x128xf32, #tpu.memory_space<hbm>> -> memref<100000x128xf32, #tpu.memory_space<hbm>>
    tpu.wait_indirect_dma semaphore(%arg16 : memref<!tpu.dma_semaphore, #tpu.memory_space<semaphore_mem>>) src(%dma_wait3A_94 : memref<100000x128xf32, #tpu.memory_space<hbm>>) dst(%arg7 : memref<80x128xf32, #tpu.memory_space<vmem>>)
    %add3A_95 = arith.constant 80 : i32
    %add3A_96 = arith.addi %mul3A_2, %add3A_95 : i32
    %dma_start3A_97 = arith.constant 0 : i32
    %dma_start3A_98 = tpu.memref_slice %arg4[%add3A_96, %dma_start3A_97] : memref<51200x128xf32, #tpu.memory_space<hbm>> -> memref<80x128xf32, #tpu.memory_space<hbm>>
    %dma_start3A_99 = arith.constant 0 : i32
    %dma_start3A_100 = tpu.memref_slice %arg4[%add3A_96, %dma_start3A_99] : memref<51200x128xf32, #tpu.memory_space<hbm>> -> memref<80x128xf32, #tpu.memory_space<hbm>>
    tpu.enqueue_dma source(%arg7 : memref<80x128xf32, #tpu.memory_space<vmem>>) target(%dma_start3A_100 : memref<80x128xf32, #tpu.memory_space<hbm>>) target_semaphore(%arg25 : memref<!tpu.dma_semaphore, #tpu.memory_space<semaphore_mem>>)
    %dma_wait3A_101 = arith.constant 0 : i32
    %dma_wait3A_102 = tpu.memref_slice %arg4[%add3A_96, %dma_wait3A_101] : memref<51200x128xf32, #tpu.memory_space<hbm>> -> memref<80x128xf32, #tpu.memory_space<hbm>>
    %dma_wait3A_103 = arith.constant 0 : i32
    %dma_wait3A_104 = tpu.memref_slice %arg4[%add3A_96, %dma_wait3A_103] : memref<51200x128xf32, #tpu.memory_space<hbm>> -> memref<80x128xf32, #tpu.memory_space<hbm>>
    tpu.wait_dma2 semaphore(%arg25 : memref<!tpu.dma_semaphore, #tpu.memory_space<semaphore_mem>>) src(%arg7 : memref<80x128xf32, #tpu.memory_space<vmem>>) dst(%dma_wait3A_104 : memref<80x128xf32, #tpu.memory_space<hbm>>)
    %dma_start3A_105 = arith.constant 10 : i32
    %dma_start3A_106 = arith.constant 0 : i32
    %dma_start3A_107 = tpu.memref_slice %arg5[%dma_start3A_105, %dma_start3A_106] : memref<20x80xi32, #tpu.memory_space<vmem>> -> memref<1x80xi32, #tpu.memory_space<vmem>>
    %dma_start3A_108 = tpu.memref_squeeze %dma_start3A_107 : memref<1x80xi32, #tpu.memory_space<vmem>> -> memref<80xi32, #tpu.memory_space<vmem>>
    %dma_start3A_109 = arith.constant 0 : i32
    %dma_start3A_110 = arith.constant 0 : i32
    %dma_start3A_111 = tpu.memref_slice %arg2[%dma_start3A_109, %dma_start3A_110] : memref<100000x128xf32, #tpu.memory_space<hbm>> -> memref<100000x128xf32, #tpu.memory_space<hbm>>
    tpu.enqueue_indirect_dma source(%dma_start3A_111 : memref<100000x128xf32, #tpu.memory_space<hbm>>) target(%arg7 : memref<80x128xf32, #tpu.memory_space<vmem>>) offsets(%dma_start3A_108 : memref<80xi32, #tpu.memory_space<vmem>>) semaphore(%arg16 : memref<!tpu.dma_semaphore, #tpu.memory_space<semaphore_mem>>)
    %dma_wait3A_112 = arith.constant 2 : i32
    %dma_wait3A_113 = arith.constant 0 : i32
    %dma_wait3A_114 = tpu.memref_slice %arg5[%dma_wait3A_112, %dma_wait3A_113] : memref<20x80xi32, #tpu.memory_space<vmem>> -> memref<1x80xi32, #tpu.memory_space<vmem>>
    %dma_wait3A_115 = tpu.memref_squeeze %dma_wait3A_114 : memref<1x80xi32, #tpu.memory_space<vmem>> -> memref<80xi32, #tpu.memory_space<vmem>>
    %dma_wait3A_116 = arith.constant 0 : i32
    %dma_wait3A_117 = arith.constant 0 : i32
    %dma_wait3A_118 = tpu.memref_slice %arg2[%dma_wait3A_116, %dma_wait3A_117] : memref<100000x128xf32, #tpu.memory_space<hbm>> -> memref<100000x128xf32, #tpu.memory_space<hbm>>
    tpu.wait_indirect_dma semaphore(%arg17 : memref<!tpu.dma_semaphore, #tpu.memory_space<semaphore_mem>>) src(%dma_wait3A_118 : memref<100000x128xf32, #tpu.memory_space<hbm>>) dst(%arg8 : memref<80x128xf32, #tpu.memory_space<vmem>>)
    %add3A_119 = arith.constant 160 : i32
    %add3A_120 = arith.addi %mul3A_2, %add3A_119 : i32
    %dma_start3A_121 = arith.constant 0 : i32
    %dma_start3A_122 = tpu.memref_slice %arg4[%add3A_120, %dma_start3A_121] : memref<51200x128xf32, #tpu.memory_space<hbm>> -> memref<80x128xf32, #tpu.memory_space<hbm>>
    %dma_start3A_123 = arith.constant 0 : i32
    %dma_start3A_124 = tpu.memref_slice %arg4[%add3A_120, %dma_start3A_123] : memref<51200x128xf32, #tpu.memory_space<hbm>> -> memref<80x128xf32, #tpu.memory_space<hbm>>
    tpu.enqueue_dma source(%arg8 : memref<80x128xf32, #tpu.memory_space<vmem>>) target(%dma_start3A_124 : memref<80x128xf32, #tpu.memory_space<hbm>>) target_semaphore(%arg26 : memref<!tpu.dma_semaphore, #tpu.memory_space<semaphore_mem>>)
    %dma_wait3A_125 = arith.constant 0 : i32
    %dma_wait3A_126 = tpu.memref_slice %arg4[%add3A_120, %dma_wait3A_125] : memref<51200x128xf32, #tpu.memory_space<hbm>> -> memref<80x128xf32, #tpu.memory_space<hbm>>
    %dma_wait3A_127 = arith.constant 0 : i32
    %dma_wait3A_128 = tpu.memref_slice %arg4[%add3A_120, %dma_wait3A_127] : memref<51200x128xf32, #tpu.memory_space<hbm>> -> memref<80x128xf32, #tpu.memory_space<hbm>>
    tpu.wait_dma2 semaphore(%arg26 : memref<!tpu.dma_semaphore, #tpu.memory_space<semaphore_mem>>) src(%arg8 : memref<80x128xf32, #tpu.memory_space<vmem>>) dst(%dma_wait3A_128 : memref<80x128xf32, #tpu.memory_space<hbm>>)
    %dma_start3A_129 = arith.constant 11 : i32
    %dma_start3A_130 = arith.constant 0 : i32
    %dma_start3A_131 = tpu.memref_slice %arg5[%dma_start3A_129, %dma_start3A_130] : memref<20x80xi32, #tpu.memory_space<vmem>> -> memref<1x80xi32, #tpu.memory_space<vmem>>
    %dma_start3A_132 = tpu.memref_squeeze %dma_start3A_131 : memref<1x80xi32, #tpu.memory_space<vmem>> -> memref<80xi32, #tpu.memory_space<vmem>>
    %dma_start3A_133 = arith.constant 0 : i32
    %dma_start3A_134 = arith.constant 0 : i32
    %dma_start3A_135 = tpu.memref_slice %arg2[%dma_start3A_133, %dma_start3A_134] : memref<100000x128xf32, #tpu.memory_space<hbm>> -> memref<100000x128xf32, #tpu.memory_space<hbm>>
    tpu.enqueue_indirect_dma source(%dma_start3A_135 : memref<100000x128xf32, #tpu.memory_space<hbm>>) target(%arg8 : memref<80x128xf32, #tpu.memory_space<vmem>>) offsets(%dma_start3A_132 : memref<80xi32, #tpu.memory_space<vmem>>) semaphore(%arg17 : memref<!tpu.dma_semaphore, #tpu.memory_space<semaphore_mem>>)
    %dma_wait3A_136 = arith.constant 3 : i32
    %dma_wait3A_137 = arith.constant 0 : i32
    %dma_wait3A_138 = tpu.memref_slice %arg5[%dma_wait3A_136, %dma_wait3A_137] : memref<20x80xi32, #tpu.memory_space<vmem>> -> memref<1x80xi32, #tpu.memory_space<vmem>>
    %dma_wait3A_139 = tpu.memref_squeeze %dma_wait3A_138 : memref<1x80xi32, #tpu.memory_space<vmem>> -> memref<80xi32, #tpu.memory_space<vmem>>
    %dma_wait3A_140 = arith.constant 0 : i32
    %dma_wait3A_141 = arith.constant 0 : i32
    %dma_wait3A_142 = tpu.memref_slice %arg2[%dma_wait3A_140, %dma_wait3A_141] : memref<100000x128xf32, #tpu.memory_space<hbm>> -> memref<100000x128xf32, #tpu.memory_space<hbm>>
    tpu.wait_indirect_dma semaphore(%arg18 : memref<!tpu.dma_semaphore, #tpu.memory_space<semaphore_mem>>) src(%dma_wait3A_142 : memref<100000x128xf32, #tpu.memory_space<hbm>>) dst(%arg9 : memref<80x128xf32, #tpu.memory_space<vmem>>)
    %add3A_143 = arith.constant 240 : i32
    %add3A_144 = arith.addi %mul3A_2, %add3A_143 : i32
    %dma_start3A_145 = arith.constant 0 : i32
    %dma_start3A_146 = tpu.memref_slice %arg4[%add3A_144, %dma_start3A_145] : memref<51200x128xf32, #tpu.memory_space<hbm>> -> memref<80x128xf32, #tpu.memory_space<hbm>>
    %dma_start3A_147 = arith.constant 0 : i32
    %dma_start3A_148 = tpu.memref_slice %arg4[%add3A_144, %dma_start3A_147] : memref<51200x128xf32, #tpu.memory_space<hbm>> -> memref<80x128xf32, #tpu.memory_space<hbm>>
    tpu.enqueue_dma source(%arg9 : memref<80x128xf32, #tpu.memory_space<vmem>>) target(%dma_start3A_148 : memref<80x128xf32, #tpu.memory_space<hbm>>) target_semaphore(%arg27 : memref<!tpu.dma_semaphore, #tpu.memory_space<semaphore_mem>>)
    %dma_wait3A_149 = arith.constant 0 : i32
    %dma_wait3A_150 = tpu.memref_slice %arg4[%add3A_144, %dma_wait3A_149] : memref<51200x128xf32, #tpu.memory_space<hbm>> -> memref<80x128xf32, #tpu.memory_space<hbm>>
    %dma_wait3A_151 = arith.constant 0 : i32
    %dma_wait3A_152 = tpu.memref_slice %arg4[%add3A_144, %dma_wait3A_151] : memref<51200x128xf32, #tpu.memory_space<hbm>> -> memref<80x128xf32, #tpu.memory_space<hbm>>
    tpu.wait_dma2 semaphore(%arg27 : memref<!tpu.dma_semaphore, #tpu.memory_space<semaphore_mem>>) src(%arg9 : memref<80x128xf32, #tpu.memory_space<vmem>>) dst(%dma_wait3A_152 : memref<80x128xf32, #tpu.memory_space<hbm>>)
    %dma_start3A_153 = arith.constant 12 : i32
    %dma_start3A_154 = arith.constant 0 : i32
    %dma_start3A_155 = tpu.memref_slice %arg5[%dma_start3A_153, %dma_start3A_154] : memref<20x80xi32, #tpu.memory_space<vmem>> -> memref<1x80xi32, #tpu.memory_space<vmem>>
    %dma_start3A_156 = tpu.memref_squeeze %dma_start3A_155 : memref<1x80xi32, #tpu.memory_space<vmem>> -> memref<80xi32, #tpu.memory_space<vmem>>
    %dma_start3A_157 = arith.constant 0 : i32
    %dma_start3A_158 = arith.constant 0 : i32
    %dma_start3A_159 = tpu.memref_slice %arg2[%dma_start3A_157, %dma_start3A_158] : memref<100000x128xf32, #tpu.memory_space<hbm>> -> memref<100000x128xf32, #tpu.memory_space<hbm>>
    tpu.enqueue_indirect_dma source(%dma_start3A_159 : memref<100000x128xf32, #tpu.memory_space<hbm>>) target(%arg9 : memref<80x128xf32, #tpu.memory_space<vmem>>) offsets(%dma_start3A_156 : memref<80xi32, #tpu.memory_space<vmem>>) semaphore(%arg18 : memref<!tpu.dma_semaphore, #tpu.memory_space<semaphore_mem>>)
    %dma_wait3A_160 = arith.constant 4 : i32
    %dma_wait3A_161 = arith.constant 0 : i32
    %dma_wait3A_162 = tpu.memref_slice %arg5[%dma_wait3A_160, %dma_wait3A_161] : memref<20x80xi32, #tpu.memory_space<vmem>> -> memref<1x80xi32, #tpu.memory_space<vmem>>
    %dma_wait3A_163 = tpu.memref_squeeze %dma_wait3A_162 : memref<1x80xi32, #tpu.memory_space<vmem>> -> memref<80xi32, #tpu.memory_space<vmem>>
    %dma_wait3A_164 = arith.constant 0 : i32
    %dma_wait3A_165 = arith.constant 0 : i32
    %dma_wait3A_166 = tpu.memref_slice %arg2[%dma_wait3A_164, %dma_wait3A_165] : memref<100000x128xf32, #tpu.memory_space<hbm>> -> memref<100000x128xf32, #tpu.memory_space<hbm>>
    tpu.wait_indirect_dma semaphore(%arg19 : memref<!tpu.dma_semaphore, #tpu.memory_space<semaphore_mem>>) src(%dma_wait3A_166 : memref<100000x128xf32, #tpu.memory_space<hbm>>) dst(%arg10 : memref<80x128xf32, #tpu.memory_space<vmem>>)
    %add3A_167 = arith.constant 320 : i32
    %add3A_168 = arith.addi %mul3A_2, %add3A_167 : i32
    %dma_start3A_169 = arith.constant 0 : i32
    %dma_start3A_170 = tpu.memref_slice %arg4[%add3A_168, %dma_start3A_169] : memref<51200x128xf32, #tpu.memory_space<hbm>> -> memref<80x128xf32, #tpu.memory_space<hbm>>
    %dma_start3A_171 = arith.constant 0 : i32
    %dma_start3A_172 = tpu.memref_slice %arg4[%add3A_168, %dma_start3A_171] : memref<51200x128xf32, #tpu.memory_space<hbm>> -> memref<80x128xf32, #tpu.memory_space<hbm>>
    tpu.enqueue_dma source(%arg10 : memref<80x128xf32, #tpu.memory_space<vmem>>) target(%dma_start3A_172 : memref<80x128xf32, #tpu.memory_space<hbm>>) target_semaphore(%arg28 : memref<!tpu.dma_semaphore, #tpu.memory_space<semaphore_mem>>)
    %dma_wait3A_173 = arith.constant 0 : i32
    %dma_wait3A_174 = tpu.memref_slice %arg4[%add3A_168, %dma_wait3A_173] : memref<51200x128xf32, #tpu.memory_space<hbm>> -> memref<80x128xf32, #tpu.memory_space<hbm>>
    %dma_wait3A_175 = arith.constant 0 : i32
    %dma_wait3A_176 = tpu.memref_slice %arg4[%add3A_168, %dma_wait3A_175] : memref<51200x128xf32, #tpu.memory_space<hbm>> -> memref<80x128xf32, #tpu.memory_space<hbm>>
    tpu.wait_dma2 semaphore(%arg28 : memref<!tpu.dma_semaphore, #tpu.memory_space<semaphore_mem>>) src(%arg10 : memref<80x128xf32, #tpu.memory_space<vmem>>) dst(%dma_wait3A_176 : memref<80x128xf32, #tpu.memory_space<hbm>>)
    %dma_start3A_177 = arith.constant 13 : i32
    %dma_start3A_178 = arith.constant 0 : i32
    %dma_start3A_179 = tpu.memref_slice %arg5[%dma_start3A_177, %dma_start3A_178] : memref<20x80xi32, #tpu.memory_space<vmem>> -> memref<1x80xi32, #tpu.memory_space<vmem>>
    %dma_start3A_180 = tpu.memref_squeeze %dma_start3A_179 : memref<1x80xi32, #tpu.memory_space<vmem>> -> memref<80xi32, #tpu.memory_space<vmem>>
    %dma_start3A_181 = arith.constant 0 : i32
    %dma_start3A_182 = arith.constant 0 : i32
    %dma_start3A_183 = tpu.memref_slice %arg2[%dma_start3A_181, %dma_start3A_182] : memref<100000x128xf32, #tpu.memory_space<hbm>> -> memref<100000x128xf32, #tpu.memory_space<hbm>>
    tpu.enqueue_indirect_dma source(%dma_start3A_183 : memref<100000x128xf32, #tpu.memory_space<hbm>>) target(%arg10 : memref<80x128xf32, #tpu.memory_space<vmem>>) offsets(%dma_start3A_180 : memref<80xi32, #tpu.memory_space<vmem>>) semaphore(%arg19 : memref<!tpu.dma_semaphore, #tpu.memory_space<semaphore_mem>>)
    %dma_wait3A_184 = arith.constant 5 : i32
    %dma_wait3A_185 = arith.constant 0 : i32
    %dma_wait3A_186 = tpu.memref_slice %arg5[%dma_wait3A_184, %dma_wait3A_185] : memref<20x80xi32, #tpu.memory_space<vmem>> -> memref<1x80xi32, #tpu.memory_space<vmem>>
    %dma_wait3A_187 = tpu.memref_squeeze %dma_wait3A_186 : memref<1x80xi32, #tpu.memory_space<vmem>> -> memref<80xi32, #tpu.memory_space<vmem>>
    %dma_wait3A_188 = arith.constant 0 : i32
    %dma_wait3A_189 = arith.constant 0 : i32
    %dma_wait3A_190 = tpu.memref_slice %arg2[%dma_wait3A_188, %dma_wait3A_189] : memref<100000x128xf32, #tpu.memory_space<hbm>> -> memref<100000x128xf32, #tpu.memory_space<hbm>>
    tpu.wait_indirect_dma semaphore(%arg20 : memref<!tpu.dma_semaphore, #tpu.memory_space<semaphore_mem>>) src(%dma_wait3A_190 : memref<100000x128xf32, #tpu.memory_space<hbm>>) dst(%arg11 : memref<80x128xf32, #tpu.memory_space<vmem>>)
    %add3A_191 = arith.constant 400 : i32
    %add3A_192 = arith.addi %mul3A_2, %add3A_191 : i32
    %dma_start3A_193 = arith.constant 0 : i32
    %dma_start3A_194 = tpu.memref_slice %arg4[%add3A_192, %dma_start3A_193] : memref<51200x128xf32, #tpu.memory_space<hbm>> -> memref<80x128xf32, #tpu.memory_space<hbm>>
    %dma_start3A_195 = arith.constant 0 : i32
    %dma_start3A_196 = tpu.memref_slice %arg4[%add3A_192, %dma_start3A_195] : memref<51200x128xf32, #tpu.memory_space<hbm>> -> memref<80x128xf32, #tpu.memory_space<hbm>>
    tpu.enqueue_dma source(%arg11 : memref<80x128xf32, #tpu.memory_space<vmem>>) target(%dma_start3A_196 : memref<80x128xf32, #tpu.memory_space<hbm>>) target_semaphore(%arg29 : memref<!tpu.dma_semaphore, #tpu.memory_space<semaphore_mem>>)
    %dma_wait3A_197 = arith.constant 0 : i32
    %dma_wait3A_198 = tpu.memref_slice %arg4[%add3A_192, %dma_wait3A_197] : memref<51200x128xf32, #tpu.memory_space<hbm>> -> memref<80x128xf32, #tpu.memory_space<hbm>>
    %dma_wait3A_199 = arith.constant 0 : i32
    %dma_wait3A_200 = tpu.memref_slice %arg4[%add3A_192, %dma_wait3A_199] : memref<51200x128xf32, #tpu.memory_space<hbm>> -> memref<80x128xf32, #tpu.memory_space<hbm>>
    tpu.wait_dma2 semaphore(%arg29 : memref<!tpu.dma_semaphore, #tpu.memory_space<semaphore_mem>>) src(%arg11 : memref<80x128xf32, #tpu.memory_space<vmem>>) dst(%dma_wait3A_200 : memref<80x128xf32, #tpu.memory_space<hbm>>)
    %dma_start3A_201 = arith.constant 14 : i32
    %dma_start3A_202 = arith.constant 0 : i32
    %dma_start3A_203 = tpu.memref_slice %arg5[%dma_start3A_201, %dma_start3A_202] : memref<20x80xi32, #tpu.memory_space<vmem>> -> memref<1x80xi32, #tpu.memory_space<vmem>>
    %dma_start3A_204 = tpu.memref_squeeze %dma_start3A_203 : memref<1x80xi32, #tpu.memory_space<vmem>> -> memref<80xi32, #tpu.memory_space<vmem>>
    %dma_start3A_205 = arith.constant 0 : i32
    %dma_start3A_206 = arith.constant 0 : i32
    %dma_start3A_207 = tpu.memref_slice %arg2[%dma_start3A_205, %dma_start3A_206] : memref<100000x128xf32, #tpu.memory_space<hbm>> -> memref<100000x128xf32, #tpu.memory_space<hbm>>
    tpu.enqueue_indirect_dma source(%dma_start3A_207 : memref<100000x128xf32, #tpu.memory_space<hbm>>) target(%arg11 : memref<80x128xf32, #tpu.memory_space<vmem>>) offsets(%dma_start3A_204 : memref<80xi32, #tpu.memory_space<vmem>>) semaphore(%arg20 : memref<!tpu.dma_semaphore, #tpu.memory_space<semaphore_mem>>)
    %dma_wait3A_208 = arith.constant 6 : i32
    %dma_wait3A_209 = arith.constant 0 : i32
    %dma_wait3A_210 = tpu.memref_slice %arg5[%dma_wait3A_208, %dma_wait3A_209] : memref<20x80xi32, #tpu.memory_space<vmem>> -> memref<1x80xi32, #tpu.memory_space<vmem>>
    %dma_wait3A_211 = tpu.memref_squeeze %dma_wait3A_210 : memref<1x80xi32, #tpu.memory_space<vmem>> -> memref<80xi32, #tpu.memory_space<vmem>>
    %dma_wait3A_212 = arith.constant 0 : i32
    %dma_wait3A_213 = arith.constant 0 : i32
    %dma_wait3A_214 = tpu.memref_slice %arg2[%dma_wait3A_212, %dma_wait3A_213] : memref<100000x128xf32, #tpu.memory_space<hbm>> -> memref<100000x128xf32, #tpu.memory_space<hbm>>
    tpu.wait_indirect_dma semaphore(%arg21 : memref<!tpu.dma_semaphore, #tpu.memory_space<semaphore_mem>>) src(%dma_wait3A_214 : memref<100000x128xf32, #tpu.memory_space<hbm>>) dst(%arg12 : memref<80x128xf32, #tpu.memory_space<vmem>>)
    %add3A_215 = arith.constant 480 : i32
    %add3A_216 = arith.addi %mul3A_2, %add3A_215 : i32
    %dma_start3A_217 = arith.constant 0 : i32
    %dma_start3A_218 = tpu.memref_slice %arg4[%add3A_216, %dma_start3A_217] : memref<51200x128xf32, #tpu.memory_space<hbm>> -> memref<80x128xf32, #tpu.memory_space<hbm>>
    %dma_start3A_219 = arith.constant 0 : i32
    %dma_start3A_220 = tpu.memref_slice %arg4[%add3A_216, %dma_start3A_219] : memref<51200x128xf32, #tpu.memory_space<hbm>> -> memref<80x128xf32, #tpu.memory_space<hbm>>
    tpu.enqueue_dma source(%arg12 : memref<80x128xf32, #tpu.memory_space<vmem>>) target(%dma_start3A_220 : memref<80x128xf32, #tpu.memory_space<hbm>>) target_semaphore(%arg30 : memref<!tpu.dma_semaphore, #tpu.memory_space<semaphore_mem>>)
    %dma_wait3A_221 = arith.constant 0 : i32
    %dma_wait3A_222 = tpu.memref_slice %arg4[%add3A_216, %dma_wait3A_221] : memref<51200x128xf32, #tpu.memory_space<hbm>> -> memref<80x128xf32, #tpu.memory_space<hbm>>
    %dma_wait3A_223 = arith.constant 0 : i32
    %dma_wait3A_224 = tpu.memref_slice %arg4[%add3A_216, %dma_wait3A_223] : memref<51200x128xf32, #tpu.memory_space<hbm>> -> memref<80x128xf32, #tpu.memory_space<hbm>>
    tpu.wait_dma2 semaphore(%arg30 : memref<!tpu.dma_semaphore, #tpu.memory_space<semaphore_mem>>) src(%arg12 : memref<80x128xf32, #tpu.memory_space<vmem>>) dst(%dma_wait3A_224 : memref<80x128xf32, #tpu.memory_space<hbm>>)
    %dma_start3A_225 = arith.constant 15 : i32
    %dma_start3A_226 = arith.constant 0 : i32
    %dma_start3A_227 = tpu.memref_slice %arg5[%dma_start3A_225, %dma_start3A_226] : memref<20x80xi32, #tpu.memory_space<vmem>> -> memref<1x80xi32, #tpu.memory_space<vmem>>
    %dma_start3A_228 = tpu.memref_squeeze %dma_start3A_227 : memref<1x80xi32, #tpu.memory_space<vmem>> -> memref<80xi32, #tpu.memory_space<vmem>>
    %dma_start3A_229 = arith.constant 0 : i32
    %dma_start3A_230 = arith.constant 0 : i32
    %dma_start3A_231 = tpu.memref_slice %arg2[%dma_start3A_229, %dma_start3A_230] : memref<100000x128xf32, #tpu.memory_space<hbm>> -> memref<100000x128xf32, #tpu.memory_space<hbm>>
    tpu.enqueue_indirect_dma source(%dma_start3A_231 : memref<100000x128xf32, #tpu.memory_space<hbm>>) target(%arg12 : memref<80x128xf32, #tpu.memory_space<vmem>>) offsets(%dma_start3A_228 : memref<80xi32, #tpu.memory_space<vmem>>) semaphore(%arg21 : memref<!tpu.dma_semaphore, #tpu.memory_space<semaphore_mem>>)
    %dma_wait3A_232 = arith.constant 7 : i32
    %dma_wait3A_233 = arith.constant 0 : i32
    %dma_wait3A_234 = tpu.memref_slice %arg5[%dma_wait3A_232, %dma_wait3A_233] : memref<20x80xi32, #tpu.memory_space<vmem>> -> memref<1x80xi32, #tpu.memory_space<vmem>>
    %dma_wait3A_235 = tpu.memref_squeeze %dma_wait3A_234 : memref<1x80xi32, #tpu.memory_space<vmem>> -> memref<80xi32, #tpu.memory_space<vmem>>
    %dma_wait3A_236 = arith.constant 0 : i32
    %dma_wait3A_237 = arith.constant 0 : i32
    %dma_wait3A_238 = tpu.memref_slice %arg2[%dma_wait3A_236, %dma_wait3A_237] : memref<100000x128xf32, #tpu.memory_space<hbm>> -> memref<100000x128xf32, #tpu.memory_space<hbm>>
    tpu.wait_indirect_dma semaphore(%arg22 : memref<!tpu.dma_semaphore, #tpu.memory_space<semaphore_mem>>) src(%dma_wait3A_238 : memref<100000x128xf32, #tpu.memory_space<hbm>>) dst(%arg13 : memref<80x128xf32, #tpu.memory_space<vmem>>)
    %add3A_239 = arith.constant 560 : i32
    %add3A_240 = arith.addi %mul3A_2, %add3A_239 : i32
    %dma_start3A_241 = arith.constant 0 : i32
    %dma_start3A_242 = tpu.memref_slice %arg4[%add3A_240, %dma_start3A_241] : memref<51200x128xf32, #tpu.memory_space<hbm>> -> memref<80x128xf32, #tpu.memory_space<hbm>>
    %dma_start3A_243 = arith.constant 0 : i32
    %dma_start3A_244 = tpu.memref_slice %arg4[%add3A_240, %dma_start3A_243] : memref<51200x128xf32, #tpu.memory_space<hbm>> -> memref<80x128xf32, #tpu.memory_space<hbm>>
    tpu.enqueue_dma source(%arg13 : memref<80x128xf32, #tpu.memory_space<vmem>>) target(%dma_start3A_244 : memref<80x128xf32, #tpu.memory_space<hbm>>) target_semaphore(%arg31 : memref<!tpu.dma_semaphore, #tpu.memory_space<semaphore_mem>>)
    %dma_wait3A_245 = arith.constant 0 : i32
    %dma_wait3A_246 = tpu.memref_slice %arg4[%add3A_240, %dma_wait3A_245] : memref<51200x128xf32, #tpu.memory_space<hbm>> -> memref<80x128xf32, #tpu.memory_space<hbm>>
    %dma_wait3A_247 = arith.constant 0 : i32
    %dma_wait3A_248 = tpu.memref_slice %arg4[%add3A_240, %dma_wait3A_247] : memref<51200x128xf32, #tpu.memory_space<hbm>> -> memref<80x128xf32, #tpu.memory_space<hbm>>
    tpu.wait_dma2 semaphore(%arg31 : memref<!tpu.dma_semaphore, #tpu.memory_space<semaphore_mem>>) src(%arg13 : memref<80x128xf32, #tpu.memory_space<vmem>>) dst(%dma_wait3A_248 : memref<80x128xf32, #tpu.memory_space<hbm>>)
    %dma_start3A_249 = arith.constant 16 : i32
    %dma_start3A_250 = arith.constant 0 : i32
    %dma_start3A_251 = tpu.memref_slice %arg5[%dma_start3A_249, %dma_start3A_250] : memref<20x80xi32, #tpu.memory_space<vmem>> -> memref<1x80xi32, #tpu.memory_space<vmem>>
    %dma_start3A_252 = tpu.memref_squeeze %dma_start3A_251 : memref<1x80xi32, #tpu.memory_space<vmem>> -> memref<80xi32, #tpu.memory_space<vmem>>
    %dma_start3A_253 = arith.constant 0 : i32
    %dma_start3A_254 = arith.constant 0 : i32
    %dma_start3A_255 = tpu.memref_slice %arg2[%dma_start3A_253, %dma_start3A_254] : memref<100000x128xf32, #tpu.memory_space<hbm>> -> memref<100000x128xf32, #tpu.memory_space<hbm>>
    tpu.enqueue_indirect_dma source(%dma_start3A_255 : memref<100000x128xf32, #tpu.memory_space<hbm>>) target(%arg13 : memref<80x128xf32, #tpu.memory_space<vmem>>) offsets(%dma_start3A_252 : memref<80xi32, #tpu.memory_space<vmem>>) semaphore(%arg22 : memref<!tpu.dma_semaphore, #tpu.memory_space<semaphore_mem>>)
    %dma_wait3A_256 = arith.constant 8 : i32
    %dma_wait3A_257 = arith.constant 0 : i32
    %dma_wait3A_258 = tpu.memref_slice %arg5[%dma_wait3A_256, %dma_wait3A_257] : memref<20x80xi32, #tpu.memory_space<vmem>> -> memref<1x80xi32, #tpu.memory_space<vmem>>
    %dma_wait3A_259 = tpu.memref_squeeze %dma_wait3A_258 : memref<1x80xi32, #tpu.memory_space<vmem>> -> memref<80xi32, #tpu.memory_space<vmem>>
    %dma_wait3A_260 = arith.constant 0 : i32
    %dma_wait3A_261 = arith.constant 0 : i32
    %dma_wait3A_262 = tpu.memref_slice %arg2[%dma_wait3A_260, %dma_wait3A_261] : memref<100000x128xf32, #tpu.memory_space<hbm>> -> memref<100000x128xf32, #tpu.memory_space<hbm>>
    tpu.wait_indirect_dma semaphore(%arg23 : memref<!tpu.dma_semaphore, #tpu.memory_space<semaphore_mem>>) src(%dma_wait3A_262 : memref<100000x128xf32, #tpu.memory_space<hbm>>) dst(%arg14 : memref<80x128xf32, #tpu.memory_space<vmem>>)
    %add3A_263 = arith.constant 640 : i32
    %add3A_264 = arith.addi %mul3A_2, %add3A_263 : i32
    %dma_start3A_265 = arith.constant 0 : i32
    %dma_start3A_266 = tpu.memref_slice %arg4[%add3A_264, %dma_start3A_265] : memref<51200x128xf32, #tpu.memory_space<hbm>> -> memref<80x128xf32, #tpu.memory_space<hbm>>
    %dma_start3A_267 = arith.constant 0 : i32
    %dma_start3A_268 = tpu.memref_slice %arg4[%add3A_264, %dma_start3A_267] : memref<51200x128xf32, #tpu.memory_space<hbm>> -> memref<80x128xf32, #tpu.memory_space<hbm>>
    tpu.enqueue_dma source(%arg14 : memref<80x128xf32, #tpu.memory_space<vmem>>) target(%dma_start3A_268 : memref<80x128xf32, #tpu.memory_space<hbm>>) target_semaphore(%arg32 : memref<!tpu.dma_semaphore, #tpu.memory_space<semaphore_mem>>)
    %dma_wait3A_269 = arith.constant 0 : i32
    %dma_wait3A_270 = tpu.memref_slice %arg4[%add3A_264, %dma_wait3A_269] : memref<51200x128xf32, #tpu.memory_space<hbm>> -> memref<80x128xf32, #tpu.memory_space<hbm>>
    %dma_wait3A_271 = arith.constant 0 : i32
    %dma_wait3A_272 = tpu.memref_slice %arg4[%add3A_264, %dma_wait3A_271] : memref<51200x128xf32, #tpu.memory_space<hbm>> -> memref<80x128xf32, #tpu.memory_space<hbm>>
    tpu.wait_dma2 semaphore(%arg32 : memref<!tpu.dma_semaphore, #tpu.memory_space<semaphore_mem>>) src(%arg14 : memref<80x128xf32, #tpu.memory_space<vmem>>) dst(%dma_wait3A_272 : memref<80x128xf32, #tpu.memory_space<hbm>>)
    %dma_start3A_273 = arith.constant 17 : i32
    %dma_start3A_274 = arith.constant 0 : i32
    %dma_start3A_275 = tpu.memref_slice %arg5[%dma_start3A_273, %dma_start3A_274] : memref<20x80xi32, #tpu.memory_space<vmem>> -> memref<1x80xi32, #tpu.memory_space<vmem>>
    %dma_start3A_276 = tpu.memref_squeeze %dma_start3A_275 : memref<1x80xi32, #tpu.memory_space<vmem>> -> memref<80xi32, #tpu.memory_space<vmem>>
    %dma_start3A_277 = arith.constant 0 : i32
    %dma_start3A_278 = arith.constant 0 : i32
    %dma_start3A_279 = tpu.memref_slice %arg2[%dma_start3A_277, %dma_start3A_278] : memref<100000x128xf32, #tpu.memory_space<hbm>> -> memref<100000x128xf32, #tpu.memory_space<hbm>>
    tpu.enqueue_indirect_dma source(%dma_start3A_279 : memref<100000x128xf32, #tpu.memory_space<hbm>>) target(%arg14 : memref<80x128xf32, #tpu.memory_space<vmem>>) offsets(%dma_start3A_276 : memref<80xi32, #tpu.memory_space<vmem>>) semaphore(%arg23 : memref<!tpu.dma_semaphore, #tpu.memory_space<semaphore_mem>>)
    %dma_wait3A_280 = arith.constant 9 : i32
    %dma_wait3A_281 = arith.constant 0 : i32
    %dma_wait3A_282 = tpu.memref_slice %arg5[%dma_wait3A_280, %dma_wait3A_281] : memref<20x80xi32, #tpu.memory_space<vmem>> -> memref<1x80xi32, #tpu.memory_space<vmem>>
    %dma_wait3A_283 = tpu.memref_squeeze %dma_wait3A_282 : memref<1x80xi32, #tpu.memory_space<vmem>> -> memref<80xi32, #tpu.memory_space<vmem>>
    %dma_wait3A_284 = arith.constant 0 : i32
    %dma_wait3A_285 = arith.constant 0 : i32
    %dma_wait3A_286 = tpu.memref_slice %arg2[%dma_wait3A_284, %dma_wait3A_285] : memref<100000x128xf32, #tpu.memory_space<hbm>> -> memref<100000x128xf32, #tpu.memory_space<hbm>>
    tpu.wait_indirect_dma semaphore(%arg15 : memref<!tpu.dma_semaphore, #tpu.memory_space<semaphore_mem>>) src(%dma_wait3A_286 : memref<100000x128xf32, #tpu.memory_space<hbm>>) dst(%arg6 : memref<80x128xf32, #tpu.memory_space<vmem>>)
    %add3A_287 = arith.constant 720 : i32
    %add3A_288 = arith.addi %mul3A_2, %add3A_287 : i32
    %dma_start3A_289 = arith.constant 0 : i32
    %dma_start3A_290 = tpu.memref_slice %arg4[%add3A_288, %dma_start3A_289] : memref<51200x128xf32, #tpu.memory_space<hbm>> -> memref<80x128xf32, #tpu.memory_space<hbm>>
    %dma_start3A_291 = arith.constant 0 : i32
    %dma_start3A_292 = tpu.memref_slice %arg4[%add3A_288, %dma_start3A_291] : memref<51200x128xf32, #tpu.memory_space<hbm>> -> memref<80x128xf32, #tpu.memory_space<hbm>>
    tpu.enqueue_dma source(%arg6 : memref<80x128xf32, #tpu.memory_space<vmem>>) target(%dma_start3A_292 : memref<80x128xf32, #tpu.memory_space<hbm>>) target_semaphore(%arg24 : memref<!tpu.dma_semaphore, #tpu.memory_space<semaphore_mem>>)
    %dma_wait3A_293 = arith.constant 0 : i32
    %dma_wait3A_294 = tpu.memref_slice %arg4[%add3A_288, %dma_wait3A_293] : memref<51200x128xf32, #tpu.memory_space<hbm>> -> memref<80x128xf32, #tpu.memory_space<hbm>>
    %dma_wait3A_295 = arith.constant 0 : i32
    %dma_wait3A_296 = tpu.memref_slice %arg4[%add3A_288, %dma_wait3A_295] : memref<51200x128xf32, #tpu.memory_space<hbm>> -> memref<80x128xf32, #tpu.memory_space<hbm>>
    tpu.wait_dma2 semaphore(%arg24 : memref<!tpu.dma_semaphore, #tpu.memory_space<semaphore_mem>>) src(%arg6 : memref<80x128xf32, #tpu.memory_space<vmem>>) dst(%dma_wait3A_296 : memref<80x128xf32, #tpu.memory_space<hbm>>)
    %dma_start3A_297 = arith.constant 18 : i32
    %dma_start3A_298 = arith.constant 0 : i32
    %dma_start3A_299 = tpu.memref_slice %arg5[%dma_start3A_297, %dma_start3A_298] : memref<20x80xi32, #tpu.memory_space<vmem>> -> memref<1x80xi32, #tpu.memory_space<vmem>>
    %dma_start3A_300 = tpu.memref_squeeze %dma_start3A_299 : memref<1x80xi32, #tpu.memory_space<vmem>> -> memref<80xi32, #tpu.memory_space<vmem>>
    %dma_start3A_301 = arith.constant 0 : i32
    %dma_start3A_302 = arith.constant 0 : i32
    %dma_start3A_303 = tpu.memref_slice %arg2[%dma_start3A_301, %dma_start3A_302] : memref<100000x128xf32, #tpu.memory_space<hbm>> -> memref<100000x128xf32, #tpu.memory_space<hbm>>
    tpu.enqueue_indirect_dma source(%dma_start3A_303 : memref<100000x128xf32, #tpu.memory_space<hbm>>) target(%arg6 : memref<80x128xf32, #tpu.memory_space<vmem>>) offsets(%dma_start3A_300 : memref<80xi32, #tpu.memory_space<vmem>>) semaphore(%arg15 : memref<!tpu.dma_semaphore, #tpu.memory_space<semaphore_mem>>)
    %dma_wait3A_304 = arith.constant 10 : i32
    %dma_wait3A_305 = arith.constant 0 : i32
    %dma_wait3A_306 = tpu.memref_slice %arg5[%dma_wait3A_304, %dma_wait3A_305] : memref<20x80xi32, #tpu.memory_space<vmem>> -> memref<1x80xi32, #tpu.memory_space<vmem>>
    %dma_wait3A_307 = tpu.memref_squeeze %dma_wait3A_306 : memref<1x80xi32, #tpu.memory_space<vmem>> -> memref<80xi32, #tpu.memory_space<vmem>>
    %dma_wait3A_308 = arith.constant 0 : i32
    %dma_wait3A_309 = arith.constant 0 : i32
    %dma_wait3A_310 = tpu.memref_slice %arg2[%dma_wait3A_308, %dma_wait3A_309] : memref<100000x128xf32, #tpu.memory_space<hbm>> -> memref<100000x128xf32, #tpu.memory_space<hbm>>
    tpu.wait_indirect_dma semaphore(%arg16 : memref<!tpu.dma_semaphore, #tpu.memory_space<semaphore_mem>>) src(%dma_wait3A_310 : memref<100000x128xf32, #tpu.memory_space<hbm>>) dst(%arg7 : memref<80x128xf32, #tpu.memory_space<vmem>>)
    %add3A_311 = arith.constant 800 : i32
    %add3A_312 = arith.addi %mul3A_2, %add3A_311 : i32
    %dma_start3A_313 = arith.constant 0 : i32
    %dma_start3A_314 = tpu.memref_slice %arg4[%add3A_312, %dma_start3A_313] : memref<51200x128xf32, #tpu.memory_space<hbm>> -> memref<80x128xf32, #tpu.memory_space<hbm>>
    %dma_start3A_315 = arith.constant 0 : i32
    %dma_start3A_316 = tpu.memref_slice %arg4[%add3A_312, %dma_start3A_315] : memref<51200x128xf32, #tpu.memory_space<hbm>> -> memref<80x128xf32, #tpu.memory_space<hbm>>
    tpu.enqueue_dma source(%arg7 : memref<80x128xf32, #tpu.memory_space<vmem>>) target(%dma_start3A_316 : memref<80x128xf32, #tpu.memory_space<hbm>>) target_semaphore(%arg25 : memref<!tpu.dma_semaphore, #tpu.memory_space<semaphore_mem>>)
    %dma_wait3A_317 = arith.constant 0 : i32
    %dma_wait3A_318 = tpu.memref_slice %arg4[%add3A_312, %dma_wait3A_317] : memref<51200x128xf32, #tpu.memory_space<hbm>> -> memref<80x128xf32, #tpu.memory_space<hbm>>
    %dma_wait3A_319 = arith.constant 0 : i32
    %dma_wait3A_320 = tpu.memref_slice %arg4[%add3A_312, %dma_wait3A_319] : memref<51200x128xf32, #tpu.memory_space<hbm>> -> memref<80x128xf32, #tpu.memory_space<hbm>>
    tpu.wait_dma2 semaphore(%arg25 : memref<!tpu.dma_semaphore, #tpu.memory_space<semaphore_mem>>) src(%arg7 : memref<80x128xf32, #tpu.memory_space<vmem>>) dst(%dma_wait3A_320 : memref<80x128xf32, #tpu.memory_space<hbm>>)
    %dma_start3A_321 = arith.constant 19 : i32
    %dma_start3A_322 = arith.constant 0 : i32
    %dma_start3A_323 = tpu.memref_slice %arg5[%dma_start3A_321, %dma_start3A_322] : memref<20x80xi32, #tpu.memory_space<vmem>> -> memref<1x80xi32, #tpu.memory_space<vmem>>
    %dma_start3A_324 = tpu.memref_squeeze %dma_start3A_323 : memref<1x80xi32, #tpu.memory_space<vmem>> -> memref<80xi32, #tpu.memory_space<vmem>>
    %dma_start3A_325 = arith.constant 0 : i32
    %dma_start3A_326 = arith.constant 0 : i32
    %dma_start3A_327 = tpu.memref_slice %arg2[%dma_start3A_325, %dma_start3A_326] : memref<100000x128xf32, #tpu.memory_space<hbm>> -> memref<100000x128xf32, #tpu.memory_space<hbm>>
    tpu.enqueue_indirect_dma source(%dma_start3A_327 : memref<100000x128xf32, #tpu.memory_space<hbm>>) target(%arg7 : memref<80x128xf32, #tpu.memory_space<vmem>>) offsets(%dma_start3A_324 : memref<80xi32, #tpu.memory_space<vmem>>) semaphore(%arg16 : memref<!tpu.dma_semaphore, #tpu.memory_space<semaphore_mem>>)
    %dma_wait3A_328 = arith.constant 11 : i32
    %dma_wait3A_329 = arith.constant 0 : i32
    %dma_wait3A_330 = tpu.memref_slice %arg5[%dma_wait3A_328, %dma_wait3A_329] : memref<20x80xi32, #tpu.memory_space<vmem>> -> memref<1x80xi32, #tpu.memory_space<vmem>>
    %dma_wait3A_331 = tpu.memref_squeeze %dma_wait3A_330 : memref<1x80xi32, #tpu.memory_space<vmem>> -> memref<80xi32, #tpu.memory_space<vmem>>
    %dma_wait3A_332 = arith.constant 0 : i32
    %dma_wait3A_333 = arith.constant 0 : i32
    %dma_wait3A_334 = tpu.memref_slice %arg2[%dma_wait3A_332, %dma_wait3A_333] : memref<100000x128xf32, #tpu.memory_space<hbm>> -> memref<100000x128xf32, #tpu.memory_space<hbm>>
    tpu.wait_indirect_dma semaphore(%arg17 : memref<!tpu.dma_semaphore, #tpu.memory_space<semaphore_mem>>) src(%dma_wait3A_334 : memref<100000x128xf32, #tpu.memory_space<hbm>>) dst(%arg8 : memref<80x128xf32, #tpu.memory_space<vmem>>)
    %add3A_335 = arith.constant 880 : i32
    %add3A_336 = arith.addi %mul3A_2, %add3A_335 : i32
    %dma_start3A_337 = arith.constant 0 : i32
    %dma_start3A_338 = tpu.memref_slice %arg4[%add3A_336, %dma_start3A_337] : memref<51200x128xf32, #tpu.memory_space<hbm>> -> memref<80x128xf32, #tpu.memory_space<hbm>>
    %dma_start3A_339 = arith.constant 0 : i32
    %dma_start3A_340 = tpu.memref_slice %arg4[%add3A_336, %dma_start3A_339] : memref<51200x128xf32, #tpu.memory_space<hbm>> -> memref<80x128xf32, #tpu.memory_space<hbm>>
    tpu.enqueue_dma source(%arg8 : memref<80x128xf32, #tpu.memory_space<vmem>>) target(%dma_start3A_340 : memref<80x128xf32, #tpu.memory_space<hbm>>) target_semaphore(%arg26 : memref<!tpu.dma_semaphore, #tpu.memory_space<semaphore_mem>>)
    %dma_wait3A_341 = arith.constant 12 : i32
    %dma_wait3A_342 = arith.constant 0 : i32
    %dma_wait3A_343 = tpu.memref_slice %arg5[%dma_wait3A_341, %dma_wait3A_342] : memref<20x80xi32, #tpu.memory_space<vmem>> -> memref<1x80xi32, #tpu.memory_space<vmem>>
    %dma_wait3A_344 = tpu.memref_squeeze %dma_wait3A_343 : memref<1x80xi32, #tpu.memory_space<vmem>> -> memref<80xi32, #tpu.memory_space<vmem>>
    %dma_wait3A_345 = arith.constant 0 : i32
    %dma_wait3A_346 = arith.constant 0 : i32
    %dma_wait3A_347 = tpu.memref_slice %arg2[%dma_wait3A_345, %dma_wait3A_346] : memref<100000x128xf32, #tpu.memory_space<hbm>> -> memref<100000x128xf32, #tpu.memory_space<hbm>>
    tpu.wait_indirect_dma semaphore(%arg18 : memref<!tpu.dma_semaphore, #tpu.memory_space<semaphore_mem>>) src(%dma_wait3A_347 : memref<100000x128xf32, #tpu.memory_space<hbm>>) dst(%arg9 : memref<80x128xf32, #tpu.memory_space<vmem>>)
    %add3A_348 = arith.constant 960 : i32
    %add3A_349 = arith.addi %mul3A_2, %add3A_348 : i32
    %dma_start3A_350 = arith.constant 0 : i32
    %dma_start3A_351 = tpu.memref_slice %arg4[%add3A_349, %dma_start3A_350] : memref<51200x128xf32, #tpu.memory_space<hbm>> -> memref<80x128xf32, #tpu.memory_space<hbm>>
    %dma_start3A_352 = arith.constant 0 : i32
    %dma_start3A_353 = tpu.memref_slice %arg4[%add3A_349, %dma_start3A_352] : memref<51200x128xf32, #tpu.memory_space<hbm>> -> memref<80x128xf32, #tpu.memory_space<hbm>>
    tpu.enqueue_dma source(%arg9 : memref<80x128xf32, #tpu.memory_space<vmem>>) target(%dma_start3A_353 : memref<80x128xf32, #tpu.memory_space<hbm>>) target_semaphore(%arg27 : memref<!tpu.dma_semaphore, #tpu.memory_space<semaphore_mem>>)
    %dma_wait3A_354 = arith.constant 13 : i32
    %dma_wait3A_355 = arith.constant 0 : i32
    %dma_wait3A_356 = tpu.memref_slice %arg5[%dma_wait3A_354, %dma_wait3A_355] : memref<20x80xi32, #tpu.memory_space<vmem>> -> memref<1x80xi32, #tpu.memory_space<vmem>>
    %dma_wait3A_357 = tpu.memref_squeeze %dma_wait3A_356 : memref<1x80xi32, #tpu.memory_space<vmem>> -> memref<80xi32, #tpu.memory_space<vmem>>
    %dma_wait3A_358 = arith.constant 0 : i32
    %dma_wait3A_359 = arith.constant 0 : i32
    %dma_wait3A_360 = tpu.memref_slice %arg2[%dma_wait3A_358, %dma_wait3A_359] : memref<100000x128xf32, #tpu.memory_space<hbm>> -> memref<100000x128xf32, #tpu.memory_space<hbm>>
    tpu.wait_indirect_dma semaphore(%arg19 : memref<!tpu.dma_semaphore, #tpu.memory_space<semaphore_mem>>) src(%dma_wait3A_360 : memref<100000x128xf32, #tpu.memory_space<hbm>>) dst(%arg10 : memref<80x128xf32, #tpu.memory_space<vmem>>)
    %add3A_361 = arith.constant 1040 : i32
    %add3A_362 = arith.addi %mul3A_2, %add3A_361 : i32
    %dma_start3A_363 = arith.constant 0 : i32
    %dma_start3A_364 = tpu.memref_slice %arg4[%add3A_362, %dma_start3A_363] : memref<51200x128xf32, #tpu.memory_space<hbm>> -> memref<80x128xf32, #tpu.memory_space<hbm>>
    %dma_start3A_365 = arith.constant 0 : i32
    %dma_start3A_366 = tpu.memref_slice %arg4[%add3A_362, %dma_start3A_365] : memref<51200x128xf32, #tpu.memory_space<hbm>> -> memref<80x128xf32, #tpu.memory_space<hbm>>
    tpu.enqueue_dma source(%arg10 : memref<80x128xf32, #tpu.memory_space<vmem>>) target(%dma_start3A_366 : memref<80x128xf32, #tpu.memory_space<hbm>>) target_semaphore(%arg28 : memref<!tpu.dma_semaphore, #tpu.memory_space<semaphore_mem>>)
    %dma_wait3A_367 = arith.constant 14 : i32
    %dma_wait3A_368 = arith.constant 0 : i32
    %dma_wait3A_369 = tpu.memref_slice %arg5[%dma_wait3A_367, %dma_wait3A_368] : memref<20x80xi32, #tpu.memory_space<vmem>> -> memref<1x80xi32, #tpu.memory_space<vmem>>
    %dma_wait3A_370 = tpu.memref_squeeze %dma_wait3A_369 : memref<1x80xi32, #tpu.memory_space<vmem>> -> memref<80xi32, #tpu.memory_space<vmem>>
    %dma_wait3A_371 = arith.constant 0 : i32
    %dma_wait3A_372 = arith.constant 0 : i32
    %dma_wait3A_373 = tpu.memref_slice %arg2[%dma_wait3A_371, %dma_wait3A_372] : memref<100000x128xf32, #tpu.memory_space<hbm>> -> memref<100000x128xf32, #tpu.memory_space<hbm>>
    tpu.wait_indirect_dma semaphore(%arg20 : memref<!tpu.dma_semaphore, #tpu.memory_space<semaphore_mem>>) src(%dma_wait3A_373 : memref<100000x128xf32, #tpu.memory_space<hbm>>) dst(%arg11 : memref<80x128xf32, #tpu.memory_space<vmem>>)
    %add3A_374 = arith.constant 1120 : i32
    %add3A_375 = arith.addi %mul3A_2, %add3A_374 : i32
    %dma_start3A_376 = arith.constant 0 : i32
    %dma_start3A_377 = tpu.memref_slice %arg4[%add3A_375, %dma_start3A_376] : memref<51200x128xf32, #tpu.memory_space<hbm>> -> memref<80x128xf32, #tpu.memory_space<hbm>>
    %dma_start3A_378 = arith.constant 0 : i32
    %dma_start3A_379 = tpu.memref_slice %arg4[%add3A_375, %dma_start3A_378] : memref<51200x128xf32, #tpu.memory_space<hbm>> -> memref<80x128xf32, #tpu.memory_space<hbm>>
    tpu.enqueue_dma source(%arg11 : memref<80x128xf32, #tpu.memory_space<vmem>>) target(%dma_start3A_379 : memref<80x128xf32, #tpu.memory_space<hbm>>) target_semaphore(%arg29 : memref<!tpu.dma_semaphore, #tpu.memory_space<semaphore_mem>>)
    %dma_wait3A_380 = arith.constant 15 : i32
    %dma_wait3A_381 = arith.constant 0 : i32
    %dma_wait3A_382 = tpu.memref_slice %arg5[%dma_wait3A_380, %dma_wait3A_381] : memref<20x80xi32, #tpu.memory_space<vmem>> -> memref<1x80xi32, #tpu.memory_space<vmem>>
    %dma_wait3A_383 = tpu.memref_squeeze %dma_wait3A_382 : memref<1x80xi32, #tpu.memory_space<vmem>> -> memref<80xi32, #tpu.memory_space<vmem>>
    %dma_wait3A_384 = arith.constant 0 : i32
    %dma_wait3A_385 = arith.constant 0 : i32
    %dma_wait3A_386 = tpu.memref_slice %arg2[%dma_wait3A_384, %dma_wait3A_385] : memref<100000x128xf32, #tpu.memory_space<hbm>> -> memref<100000x128xf32, #tpu.memory_space<hbm>>
    tpu.wait_indirect_dma semaphore(%arg21 : memref<!tpu.dma_semaphore, #tpu.memory_space<semaphore_mem>>) src(%dma_wait3A_386 : memref<100000x128xf32, #tpu.memory_space<hbm>>) dst(%arg12 : memref<80x128xf32, #tpu.memory_space<vmem>>)
    %add3A_387 = arith.constant 1200 : i32
    %add3A_388 = arith.addi %mul3A_2, %add3A_387 : i32
    %dma_start3A_389 = arith.constant 0 : i32
    %dma_start3A_390 = tpu.memref_slice %arg4[%add3A_388, %dma_start3A_389] : memref<51200x128xf32, #tpu.memory_space<hbm>> -> memref<80x128xf32, #tpu.memory_space<hbm>>
    %dma_start3A_391 = arith.constant 0 : i32
    %dma_start3A_392 = tpu.memref_slice %arg4[%add3A_388, %dma_start3A_391] : memref<51200x128xf32, #tpu.memory_space<hbm>> -> memref<80x128xf32, #tpu.memory_space<hbm>>
    tpu.enqueue_dma source(%arg12 : memref<80x128xf32, #tpu.memory_space<vmem>>) target(%dma_start3A_392 : memref<80x128xf32, #tpu.memory_space<hbm>>) target_semaphore(%arg30 : memref<!tpu.dma_semaphore, #tpu.memory_space<semaphore_mem>>)
    %dma_wait3A_393 = arith.constant 16 : i32
    %dma_wait3A_394 = arith.constant 0 : i32
    %dma_wait3A_395 = tpu.memref_slice %arg5[%dma_wait3A_393, %dma_wait3A_394] : memref<20x80xi32, #tpu.memory_space<vmem>> -> memref<1x80xi32, #tpu.memory_space<vmem>>
    %dma_wait3A_396 = tpu.memref_squeeze %dma_wait3A_395 : memref<1x80xi32, #tpu.memory_space<vmem>> -> memref<80xi32, #tpu.memory_space<vmem>>
    %dma_wait3A_397 = arith.constant 0 : i32
    %dma_wait3A_398 = arith.constant 0 : i32
    %dma_wait3A_399 = tpu.memref_slice %arg2[%dma_wait3A_397, %dma_wait3A_398] : memref<100000x128xf32, #tpu.memory_space<hbm>> -> memref<100000x128xf32, #tpu.memory_space<hbm>>
    tpu.wait_indirect_dma semaphore(%arg22 : memref<!tpu.dma_semaphore, #tpu.memory_space<semaphore_mem>>) src(%dma_wait3A_399 : memref<100000x128xf32, #tpu.memory_space<hbm>>) dst(%arg13 : memref<80x128xf32, #tpu.memory_space<vmem>>)
    %add3A_400 = arith.constant 1280 : i32
    %add3A_401 = arith.addi %mul3A_2, %add3A_400 : i32
    %dma_start3A_402 = arith.constant 0 : i32
    %dma_start3A_403 = tpu.memref_slice %arg4[%add3A_401, %dma_start3A_402] : memref<51200x128xf32, #tpu.memory_space<hbm>> -> memref<80x128xf32, #tpu.memory_space<hbm>>
    %dma_start3A_404 = arith.constant 0 : i32
    %dma_start3A_405 = tpu.memref_slice %arg4[%add3A_401, %dma_start3A_404] : memref<51200x128xf32, #tpu.memory_space<hbm>> -> memref<80x128xf32, #tpu.memory_space<hbm>>
    tpu.enqueue_dma source(%arg13 : memref<80x128xf32, #tpu.memory_space<vmem>>) target(%dma_start3A_405 : memref<80x128xf32, #tpu.memory_space<hbm>>) target_semaphore(%arg31 : memref<!tpu.dma_semaphore, #tpu.memory_space<semaphore_mem>>)
    %dma_wait3A_406 = arith.constant 17 : i32
    %dma_wait3A_407 = arith.constant 0 : i32
    %dma_wait3A_408 = tpu.memref_slice %arg5[%dma_wait3A_406, %dma_wait3A_407] : memref<20x80xi32, #tpu.memory_space<vmem>> -> memref<1x80xi32, #tpu.memory_space<vmem>>
    %dma_wait3A_409 = tpu.memref_squeeze %dma_wait3A_408 : memref<1x80xi32, #tpu.memory_space<vmem>> -> memref<80xi32, #tpu.memory_space<vmem>>
    %dma_wait3A_410 = arith.constant 0 : i32
    %dma_wait3A_411 = arith.constant 0 : i32
    %dma_wait3A_412 = tpu.memref_slice %arg2[%dma_wait3A_410, %dma_wait3A_411] : memref<100000x128xf32, #tpu.memory_space<hbm>> -> memref<100000x128xf32, #tpu.memory_space<hbm>>
    tpu.wait_indirect_dma semaphore(%arg23 : memref<!tpu.dma_semaphore, #tpu.memory_space<semaphore_mem>>) src(%dma_wait3A_412 : memref<100000x128xf32, #tpu.memory_space<hbm>>) dst(%arg14 : memref<80x128xf32, #tpu.memory_space<vmem>>)
    %add3A_413 = arith.constant 1360 : i32
    %add3A_414 = arith.addi %mul3A_2, %add3A_413 : i32
    %dma_start3A_415 = arith.constant 0 : i32
    %dma_start3A_416 = tpu.memref_slice %arg4[%add3A_414, %dma_start3A_415] : memref<51200x128xf32, #tpu.memory_space<hbm>> -> memref<80x128xf32, #tpu.memory_space<hbm>>
    %dma_start3A_417 = arith.constant 0 : i32
    %dma_start3A_418 = tpu.memref_slice %arg4[%add3A_414, %dma_start3A_417] : memref<51200x128xf32, #tpu.memory_space<hbm>> -> memref<80x128xf32, #tpu.memory_space<hbm>>
    tpu.enqueue_dma source(%arg14 : memref<80x128xf32, #tpu.memory_space<vmem>>) target(%dma_start3A_418 : memref<80x128xf32, #tpu.memory_space<hbm>>) target_semaphore(%arg32 : memref<!tpu.dma_semaphore, #tpu.memory_space<semaphore_mem>>)
    %dma_wait3A_419 = arith.constant 18 : i32
    %dma_wait3A_420 = arith.constant 0 : i32
    %dma_wait3A_421 = tpu.memref_slice %arg5[%dma_wait3A_419, %dma_wait3A_420] : memref<20x80xi32, #tpu.memory_space<vmem>> -> memref<1x80xi32, #tpu.memory_space<vmem>>
    %dma_wait3A_422 = tpu.memref_squeeze %dma_wait3A_421 : memref<1x80xi32, #tpu.memory_space<vmem>> -> memref<80xi32, #tpu.memory_space<vmem>>
    %dma_wait3A_423 = arith.constant 0 : i32
    %dma_wait3A_424 = arith.constant 0 : i32
    %dma_wait3A_425 = tpu.memref_slice %arg2[%dma_wait3A_423, %dma_wait3A_424] : memref<100000x128xf32, #tpu.memory_space<hbm>> -> memref<100000x128xf32, #tpu.memory_space<hbm>>
    tpu.wait_indirect_dma semaphore(%arg15 : memref<!tpu.dma_semaphore, #tpu.memory_space<semaphore_mem>>) src(%dma_wait3A_425 : memref<100000x128xf32, #tpu.memory_space<hbm>>) dst(%arg6 : memref<80x128xf32, #tpu.memory_space<vmem>>)
    %add3A_426 = arith.constant 1440 : i32
    %add3A_427 = arith.addi %mul3A_2, %add3A_426 : i32
    %dma_start3A_428 = arith.constant 0 : i32
    %dma_start3A_429 = tpu.memref_slice %arg4[%add3A_427, %dma_start3A_428] : memref<51200x128xf32, #tpu.memory_space<hbm>> -> memref<80x128xf32, #tpu.memory_space<hbm>>
    %dma_start3A_430 = arith.constant 0 : i32
    %dma_start3A_431 = tpu.memref_slice %arg4[%add3A_427, %dma_start3A_430] : memref<51200x128xf32, #tpu.memory_space<hbm>> -> memref<80x128xf32, #tpu.memory_space<hbm>>
    tpu.enqueue_dma source(%arg6 : memref<80x128xf32, #tpu.memory_space<vmem>>) target(%dma_start3A_431 : memref<80x128xf32, #tpu.memory_space<hbm>>) target_semaphore(%arg24 : memref<!tpu.dma_semaphore, #tpu.memory_space<semaphore_mem>>)
    %dma_wait3A_432 = arith.constant 19 : i32
    %dma_wait3A_433 = arith.constant 0 : i32
    %dma_wait3A_434 = tpu.memref_slice %arg5[%dma_wait3A_432, %dma_wait3A_433] : memref<20x80xi32, #tpu.memory_space<vmem>> -> memref<1x80xi32, #tpu.memory_space<vmem>>
    %dma_wait3A_435 = tpu.memref_squeeze %dma_wait3A_434 : memref<1x80xi32, #tpu.memory_space<vmem>> -> memref<80xi32, #tpu.memory_space<vmem>>
    %dma_wait3A_436 = arith.constant 0 : i32
    %dma_wait3A_437 = arith.constant 0 : i32
    %dma_wait3A_438 = tpu.memref_slice %arg2[%dma_wait3A_436, %dma_wait3A_437] : memref<100000x128xf32, #tpu.memory_space<hbm>> -> memref<100000x128xf32, #tpu.memory_space<hbm>>
    tpu.wait_indirect_dma semaphore(%arg16 : memref<!tpu.dma_semaphore, #tpu.memory_space<semaphore_mem>>) src(%dma_wait3A_438 : memref<100000x128xf32, #tpu.memory_space<hbm>>) dst(%arg7 : memref<80x128xf32, #tpu.memory_space<vmem>>)
    %add3A_439 = arith.constant 1520 : i32
    %add3A_440 = arith.addi %mul3A_2, %add3A_439 : i32
    %dma_start3A_441 = arith.constant 0 : i32
    %dma_start3A_442 = tpu.memref_slice %arg4[%add3A_440, %dma_start3A_441] : memref<51200x128xf32, #tpu.memory_space<hbm>> -> memref<80x128xf32, #tpu.memory_space<hbm>>
    %dma_start3A_443 = arith.constant 0 : i32
    %dma_start3A_444 = tpu.memref_slice %arg4[%add3A_440, %dma_start3A_443] : memref<51200x128xf32, #tpu.memory_space<hbm>> -> memref<80x128xf32, #tpu.memory_space<hbm>>
    tpu.enqueue_dma source(%arg7 : memref<80x128xf32, #tpu.memory_space<vmem>>) target(%dma_start3A_444 : memref<80x128xf32, #tpu.memory_space<hbm>>) target_semaphore(%arg25 : memref<!tpu.dma_semaphore, #tpu.memory_space<semaphore_mem>>)
    %dma_wait3A_445 = arith.constant 0 : i32
    %dma_wait3A_446 = tpu.memref_slice %arg4[%add3A_427, %dma_wait3A_445] : memref<51200x128xf32, #tpu.memory_space<hbm>> -> memref<80x128xf32, #tpu.memory_space<hbm>>
    %dma_wait3A_447 = arith.constant 0 : i32
    %dma_wait3A_448 = tpu.memref_slice %arg4[%add3A_427, %dma_wait3A_447] : memref<51200x128xf32, #tpu.memory_space<hbm>> -> memref<80x128xf32, #tpu.memory_space<hbm>>
    tpu.wait_dma2 semaphore(%arg24 : memref<!tpu.dma_semaphore, #tpu.memory_space<semaphore_mem>>) src(%arg6 : memref<80x128xf32, #tpu.memory_space<vmem>>) dst(%dma_wait3A_448 : memref<80x128xf32, #tpu.memory_space<hbm>>)
    %dma_wait3A_449 = arith.constant 0 : i32
    %dma_wait3A_450 = tpu.memref_slice %arg4[%add3A_440, %dma_wait3A_449] : memref<51200x128xf32, #tpu.memory_space<hbm>> -> memref<80x128xf32, #tpu.memory_space<hbm>>
    %dma_wait3A_451 = arith.constant 0 : i32
    %dma_wait3A_452 = tpu.memref_slice %arg4[%add3A_440, %dma_wait3A_451] : memref<51200x128xf32, #tpu.memory_space<hbm>> -> memref<80x128xf32, #tpu.memory_space<hbm>>
    tpu.wait_dma2 semaphore(%arg25 : memref<!tpu.dma_semaphore, #tpu.memory_space<semaphore_mem>>) src(%arg7 : memref<80x128xf32, #tpu.memory_space<vmem>>) dst(%dma_wait3A_452 : memref<80x128xf32, #tpu.memory_space<hbm>>)
    %dma_wait3A_453 = arith.constant 0 : i32
    %dma_wait3A_454 = tpu.memref_slice %arg4[%add3A_336, %dma_wait3A_453] : memref<51200x128xf32, #tpu.memory_space<hbm>> -> memref<80x128xf32, #tpu.memory_space<hbm>>
    %dma_wait3A_455 = arith.constant 0 : i32
    %dma_wait3A_456 = tpu.memref_slice %arg4[%add3A_336, %dma_wait3A_455] : memref<51200x128xf32, #tpu.memory_space<hbm>> -> memref<80x128xf32, #tpu.memory_space<hbm>>
    tpu.wait_dma2 semaphore(%arg26 : memref<!tpu.dma_semaphore, #tpu.memory_space<semaphore_mem>>) src(%arg8 : memref<80x128xf32, #tpu.memory_space<vmem>>) dst(%dma_wait3A_456 : memref<80x128xf32, #tpu.memory_space<hbm>>)
    %dma_wait3A_457 = arith.constant 0 : i32
    %dma_wait3A_458 = tpu.memref_slice %arg4[%add3A_349, %dma_wait3A_457] : memref<51200x128xf32, #tpu.memory_space<hbm>> -> memref<80x128xf32, #tpu.memory_space<hbm>>
    %dma_wait3A_459 = arith.constant 0 : i32
    %dma_wait3A_460 = tpu.memref_slice %arg4[%add3A_349, %dma_wait3A_459] : memref<51200x128xf32, #tpu.memory_space<hbm>> -> memref<80x128xf32, #tpu.memory_space<hbm>>
    tpu.wait_dma2 semaphore(%arg27 : memref<!tpu.dma_semaphore, #tpu.memory_space<semaphore_mem>>) src(%arg9 : memref<80x128xf32, #tpu.memory_space<vmem>>) dst(%dma_wait3A_460 : memref<80x128xf32, #tpu.memory_space<hbm>>)
    %dma_wait3A_461 = arith.constant 0 : i32
    %dma_wait3A_462 = tpu.memref_slice %arg4[%add3A_362, %dma_wait3A_461] : memref<51200x128xf32, #tpu.memory_space<hbm>> -> memref<80x128xf32, #tpu.memory_space<hbm>>
    %dma_wait3A_463 = arith.constant 0 : i32
    %dma_wait3A_464 = tpu.memref_slice %arg4[%add3A_362, %dma_wait3A_463] : memref<51200x128xf32, #tpu.memory_space<hbm>> -> memref<80x128xf32, #tpu.memory_space<hbm>>
    tpu.wait_dma2 semaphore(%arg28 : memref<!tpu.dma_semaphore, #tpu.memory_space<semaphore_mem>>) src(%arg10 : memref<80x128xf32, #tpu.memory_space<vmem>>) dst(%dma_wait3A_464 : memref<80x128xf32, #tpu.memory_space<hbm>>)
    %dma_wait3A_465 = arith.constant 0 : i32
    %dma_wait3A_466 = tpu.memref_slice %arg4[%add3A_375, %dma_wait3A_465] : memref<51200x128xf32, #tpu.memory_space<hbm>> -> memref<80x128xf32, #tpu.memory_space<hbm>>
    %dma_wait3A_467 = arith.constant 0 : i32
    %dma_wait3A_468 = tpu.memref_slice %arg4[%add3A_375, %dma_wait3A_467] : memref<51200x128xf32, #tpu.memory_space<hbm>> -> memref<80x128xf32, #tpu.memory_space<hbm>>
    tpu.wait_dma2 semaphore(%arg29 : memref<!tpu.dma_semaphore, #tpu.memory_space<semaphore_mem>>) src(%arg11 : memref<80x128xf32, #tpu.memory_space<vmem>>) dst(%dma_wait3A_468 : memref<80x128xf32, #tpu.memory_space<hbm>>)
    %dma_wait3A_469 = arith.constant 0 : i32
    %dma_wait3A_470 = tpu.memref_slice %arg4[%add3A_388, %dma_wait3A_469] : memref<51200x128xf32, #tpu.memory_space<hbm>> -> memref<80x128xf32, #tpu.memory_space<hbm>>
    %dma_wait3A_471 = arith.constant 0 : i32
    %dma_wait3A_472 = tpu.memref_slice %arg4[%add3A_388, %dma_wait3A_471] : memref<51200x128xf32, #tpu.memory_space<hbm>> -> memref<80x128xf32, #tpu.memory_space<hbm>>
    tpu.wait_dma2 semaphore(%arg30 : memref<!tpu.dma_semaphore, #tpu.memory_space<semaphore_mem>>) src(%arg12 : memref<80x128xf32, #tpu.memory_space<vmem>>) dst(%dma_wait3A_472 : memref<80x128xf32, #tpu.memory_space<hbm>>)
    %dma_wait3A_473 = arith.constant 0 : i32
    %dma_wait3A_474 = tpu.memref_slice %arg4[%add3A_401, %dma_wait3A_473] : memref<51200x128xf32, #tpu.memory_space<hbm>> -> memref<80x128xf32, #tpu.memory_space<hbm>>
    %dma_wait3A_475 = arith.constant 0 : i32
    %dma_wait3A_476 = tpu.memref_slice %arg4[%add3A_401, %dma_wait3A_475] : memref<51200x128xf32, #tpu.memory_space<hbm>> -> memref<80x128xf32, #tpu.memory_space<hbm>>
    tpu.wait_dma2 semaphore(%arg31 : memref<!tpu.dma_semaphore, #tpu.memory_space<semaphore_mem>>) src(%arg13 : memref<80x128xf32, #tpu.memory_space<vmem>>) dst(%dma_wait3A_476 : memref<80x128xf32, #tpu.memory_space<hbm>>)
    %dma_wait3A_477 = arith.constant 0 : i32
    %dma_wait3A_478 = tpu.memref_slice %arg4[%add3A_414, %dma_wait3A_477] : memref<51200x128xf32, #tpu.memory_space<hbm>> -> memref<80x128xf32, #tpu.memory_space<hbm>>
    %dma_wait3A_479 = arith.constant 0 : i32
    %dma_wait3A_480 = tpu.memref_slice %arg4[%add3A_414, %dma_wait3A_479] : memref<51200x128xf32, #tpu.memory_space<hbm>> -> memref<80x128xf32, #tpu.memory_space<hbm>>
    tpu.wait_dma2 semaphore(%arg32 : memref<!tpu.dma_semaphore, #tpu.memory_space<semaphore_mem>>) src(%arg14 : memref<80x128xf32, #tpu.memory_space<vmem>>) dst(%dma_wait3A_480 : memref<80x128xf32, #tpu.memory_space<hbm>>)
    return
  }
}

module attributes {stable_mosaic.version = 14 : i64} {
  func.func @_mm_body(%arg0: i32, %arg1: memref<6400x128xf32, #tpu.memory_space<vmem>>, %arg2: memref<128x512xf32, #tpu.memory_space<vmem>>, %arg3: memref<1x512xf32, #tpu.memory_space<vmem>>, %arg4: memref<6400x512xf32, #tpu.memory_space<vmem>>) attributes {dimension_semantics = [#tpu.dimension_semantics<parallel>], iteration_bounds = array<i64: 8>, scalar_prefetch = 0 : i64, scratch_operands = 0 : i64, tpu.core_type = #tpu.core_type<tc>, window_params = [{transform_indices = @transform_0, window_bounds = array<i64: 6400, 128>}, {pipeline_mode = #tpu.pipeline_mode<synchronous>, transform_indices = @transform_1, window_bounds = array<i64: 128, 512>}, {pipeline_mode = #tpu.pipeline_mode<synchronous>, transform_indices = @transform_2, window_bounds = array<i64: 1, 512>}, {transform_indices = @transform_3, window_bounds = array<i64: 6400, 512>}]} {
    %get3A = arith.constant 0 : index
    %get3A_0 = arith.constant 0 : index
    %get3A_1 = vector.load %arg1[%get3A, %get3A_0] : memref<6400x128xf32, #tpu.memory_space<vmem>>, vector<6400x128xf32>
    %get3A_2 = arith.constant 0 : index
    %get3A_3 = arith.constant 0 : index
    %get3A_4 = vector.load %arg2[%get3A_2, %get3A_3] : memref<128x512xf32, #tpu.memory_space<vmem>>, vector<128x512xf32>
    %dot_general3A = arith.constant dense<0.000000e+00> : vector<6400x512xf32>
    %dot_general3A_5 = tpu.matmul %get3A_1, %get3A_4, %dot_general3A {dimension_numbers = #tpu.dot_dimension_numbers<[1], [0], [0], [1], [0, 0, 1, 1], [], []>, transpose_lhs_hint = false} : vector<6400x128xf32>, vector<128x512xf32>, vector<6400x512xf32> -> vector<6400x512xf32>
    %get3A_6 = arith.constant 0 : index
    %get3A_7 = arith.constant 0 : index
    %get3A_8 = vector.load %arg3[%get3A_6, %get3A_7] : memref<1x512xf32, #tpu.memory_space<vmem>>, vector<1x512xf32>
    %add3A = vector.broadcast %get3A_8 : vector<1x512xf32> to vector<6400x512xf32>
    %add3A_9 = arith.addf %dot_general3A_5, %add3A : vector<6400x512xf32>
    %swap3A = arith.constant 0 : index
    %swap3A_10 = arith.constant 0 : index
    %swap3A_11 = vector.load %arg4[%swap3A, %swap3A_10] : memref<6400x512xf32, #tpu.memory_space<vmem>>, vector<6400x512xf32>
    tpu.vector_store %arg4[%swap3A, %swap3A_10], %add3A_9 {strides = array<i32>} : memref<6400x512xf32, #tpu.memory_space<vmem>>, vector<6400x512xf32>,
    return
  }
  func.func @transform_0(%arg0: i32) -> (i32, i32) {
    %c0_i32 = arith.constant 0 : i32
    %c0_i32_0 = arith.constant 0 : i32
    return %arg0, %c0_i32 : i32, i32
  }
  func.func @transform_1(%arg0: i32) -> (i32, i32) {
    %c0_i32 = arith.constant 0 : i32
    %c0_i32_0 = arith.constant 0 : i32
    %c0_i32_1 = arith.constant 0 : i32
    return %c0_i32, %c0_i32_0 : i32, i32
  }
  func.func @transform_2(%arg0: i32) -> (i32, i32) {
    %c0_i32 = arith.constant 0 : i32
    %c0_i32_0 = arith.constant 0 : i32
    %c0_i32_1 = arith.constant 0 : i32
    return %c0_i32, %c0_i32_0 : i32, i32
  }
  func.func @transform_3(%arg0: i32) -> (i32, i32) {
    %add3A = arith.constant 0 : i32
    %add3A_0 = arith.addi %add3A, %arg0 : i32
    %c0_i32 = arith.constant 0 : i32
    %c0_i32_1 = arith.constant 0 : i32
    return %add3A_0, %c0_i32 : i32, i32
  }
}

</mosaic_0001>

<sc_bundles>
// kernel: kernel.4.cloned.1.call-start
scs
__scs_entry_jumppad:
0x0: {  	(pc) =	sbr.rel $0x88, $3  }
0x1: {  	(tag) =	ssettag $0x0;
	lr =	simm.s32 $0x1  }
0x2: {  	[smem:$0x3F9D] =	sst lr;
	_ =	strace $0xD0000000  }
0x3: {  	_ = 	snop  }
0x4: {  	_ = 	snop  }
0x5: {  	_ = 	snop  }
0x6: {  	_ = 	snop  }
0x7: {  	_ = 	snop  }
__scs_overlays_trampoline_lowered:
0x8: {  	[smem:$0x3FAC] =	sst s0  }
0x9: {  	[smem:$0x3FAD] =	sst s1  }
0xa: {  	[smem:$0x3FAE] =	sst s2  }
0xb: {  	[smem:$0x3FAF] =	sst s3  }
0xc: {  	[smem:$0x3FB0] =	sst s4  }
0xd: {  	[smem:$0x3FB1] =	sst s5  }
0xe: {  	[smem:$0x3FB2] =	sst s6  }
0xf: {  	[smem:$0x3FB3] =	sst s7  }
0x10: {  	[smem:$0x3FB4] =	sst s8  }
0x11: {  	[smem:$0x3FB5] =	sst s9;
	s0 =	simm.s32 @!p0 $0x0  }
0x12: {  	s1 =	sld [smem:$0x3F9B];
	s0 =	simm.s32 @p0 $0x1  }
0x13: {  	[smem:$0x3FB6] =	sst s0;
	s0 =	simm.s32 @!p1 $0x0  }
0x14: {  	s2 =	sld [smem:$0x3F9A];
	s0 =	simm.s32 @p1 $0x1  }
0x15: {  	[smem:$0x3FB7] =	sst s0;
	s0 =	simm.s32 @!p2 $0x0  }
0x16: {  	s3 =	sld [smem:$0x3FDB];
	s0 =	simm.s32 @p2 $0x1  }
0x17: {  	s4 =	simm.s32 $0x1BF5;
	[smem:$0x3FB9] =	sst s0  }
0x18: {  	s0 =	sld [smem:$0x3F9C];
	_ =	swait.ge [sflag:s4], $0x0  }
0x19: {  	s7 =	sld [smem:$0x3F9D]  }
0x1a: {  	s8 =	sadd.s32 $0xFFFFE003, lr  }
0x1b: {  	s9 =	sadd.s32 $0xFFFFFEF7, lr;
	s5 =	simm.s32 $0xFFFFFFFF;
	p2 =	slt.u32 s8, $0xFFFFF086  }
0x1c: {  	p1 =	slt.u32 s9, $0xF7A;
	s5 =	simm.s32 @!p2 $0x0  }
0x1d: {  	s5 =	simm.s32 @p1 $0x1;
	p0 =	seq.s32 s7, s2  }
0x1e: {  	s7 =	smul.u32 @!p0 $0xF7A, s2;
	p2 =	seq.s32 @!p0 s5, $0x0  }
0x1f: {  	s9 =	smul.u32 $0xF7A, s1;
	s8 =	simm.s32 @!p0 $0x1BF5;
	p2 =	por !p2, p0  }
0x20: {  	[sflag:s8] =	ssyncset.s32 @!p0 $0xFFFFF086;
	s6 =	sadd.s32 @!p0 s3, s7;
	s7 =	simm.s32 @!p0 $0x108  }
0x21: {  	s3 =	sadd.s32 s3, s9;
	s6 =	sadd.s32 @!p0 $0x88, s6;
	s7 =	simm.s32 @p2 $0x1082  }
0x22: {  	[simem:s7], [sflag:s8] =	dma.local @!p0 [hbm:s6], $0xF7A  }
0x23: {  	s9 =	sor.u32 $0xD0000000, s2;
	s6 =	simm.s32 $0x108;
	_ =	swait.ge @!p0 [sflag:s8], $0x0  }
0x24: {  	s3 =	sadd.s32 $0x88, s3;
	s6 =	simm.s32 @!p1 $0x1082;
	[sflag:s4] =	ssyncset.s32 $0xFFFFF086  }
0x25: {  	[simem:s6], [sflag:s4] =	dma.local [hbm:s3], $0xF7A  }
0x26: {  	[smem:$0x3F9D] =	sst s1;
	(tag) =	ssettag s2;
	_ =	strace s9  }
0x27: {  	s1 =	sld [smem:$0x3FAD]  }
0x28: {  	s2 =	sld [smem:$0x3FAE]  }
0x29: {  	s4 =	sld [smem:$0x3FB0]  }
0x2a: {  	p0 =	seq.s32 s5, $0x0;
	s5 =	sld [smem:$0x3FB1]  }
0x2b: {  	s6 =	sld [smem:$0x3FB2]  }
0x2c: {  	s7 =	sld [smem:$0x3FB3]  }
0x2d: {  	s3 =	simm.s32 $0x108;
	s8 =	sld [smem:$0x3FB4]  }
0x2e: {  	s3 =	simm.s32 @!p0 $0x1082;
	s9 =	sld [smem:$0x3FB5]  }
0x2f: {  	lr =	sadd.s32 s0, s3;
	s0 =	sld [smem:$0x3FAC]  }
0x30: {  	s3 =	sld [smem:$0x3FAF]  }
0x31: {  	[smem:$0x3FB8] =	sst s10  }
0x32: {  	s10 =	sld [smem:$0x3FB6];
	_ =	sdelay $0x3  }
0x33: {  	p0 =	seq.s32 s10, $0x1;
	s10 =	sld [smem:$0x3FB8];
	_ =	sdelay $0x3  }
0x34: {  	[smem:$0x3FB8] =	sst s10  }
0x35: {  	s10 =	sld [smem:$0x3FB7];
	_ =	sdelay $0x3  }
0x36: {  	p1 =	seq.s32 s10, $0x1;
	s10 =	sld [smem:$0x3FB8];
	_ =	sdelay $0x3  }
0x37: {  	[smem:$0x3FB8] =	sst s10  }
0x38: {  	s10 =	sld [smem:$0x3FB9]  }
0x39: {  	_ = 	snop;
	(pc) =	sbr.ind lr, $3  }
0x3a: {  	_ = 	snop  }
0x3b: {  	_ = 	snop  }
0x3c: {  	p2 =	seq.s32 s10, $0x1;
	s10 =	sld [smem:$0x3FB8]  }
0x3d: {  	_ =	shalt  }
0x3e: {  	_ =	shalt  }
0x3f: {  	_ =	shalt  }
0x40: {  	_ =	shalt  }
0x41: {  	_ =	shalt  }
0x42: {  	_ =	shalt  }
0x43: {  	_ =	shalt  }
0x44: {  	_ =	shalt  }
0x45: {  	_ =	shalt  }
0x46: {  	_ =	shalt  }
0x47: {  	_ =	shalt  }
0x48: {  	_ =	shalt  }
0x49: {  	_ =	shalt  }
0x4a: {  	_ =	shalt  }
0x4b: {  	_ =	shalt  }
0x4c: {  	_ =	shalt  }
0x4d: {  	_ =	shalt  }
0x4e: {  	_ =	shalt  }
0x4f: {  	_ =	shalt  }
0x50: {  	_ =	shalt  }
0x51: {  	_ =	shalt  }
0x52: {  	_ =	shalt  }
0x53: {  	_ =	shalt  }
0x54: {  	_ =	shalt  }
0x55: {  	_ =	shalt  }
0x56: {  	_ =	shalt  }
0x57: {  	_ =	shalt  }
0x58: {  	_ =	shalt  }
0x59: {  	_ =	shalt  }
0x5a: {  	_ =	shalt  }
0x5b: {  	_ =	shalt  }
0x5c: {  	_ =	shalt  }
0x5d: {  	_ =	shalt  }
0x5e: {  	_ =	shalt  }
0x5f: {  	_ =	shalt  }
0x60: {  	_ =	shalt  }
0x61: {  	_ =	shalt  }
0x62: {  	_ =	shalt  }
0x63: {  	_ =	shalt  }
0x64: {  	_ =	shalt  }
0x65: {  	_ =	shalt  }
0x66: {  	_ =	shalt  }
0x67: {  	_ =	shalt  }
0x68: {  	_ =	shalt  }
0x69: {  	_ =	shalt  }
0x6a: {  	_ =	shalt  }
0x6b: {  	_ =	shalt  }
0x6c: {  	_ =	shalt  }
0x6d: {  	_ =	shalt  }
0x6e: {  	_ =	shalt  }
0x6f: {  	_ =	shalt  }
0x70: {  	_ =	shalt  }
0x71: {  	_ =	shalt  }
0x72: {  	_ =	shalt  }
0x73: {  	_ =	shalt  }
0x74: {  	_ =	shalt  }
0x75: {  	_ =	shalt  }
0x76: {  	_ =	shalt  }
0x77: {  	_ =	shalt  }
0x78: {  	_ =	shalt  }
0x79: {  	_ =	shalt  }
0x7a: {  	_ =	shalt  }
0x7b: {  	_ =	shalt  }
0x7c: {  	_ =	shalt  }
0x7d: {  	_ =	shalt  }
0x7e: {  	_ =	shalt  }
0x7f: {  	_ =	shalt  }
0x80: {  	_ =	shalt  }
0x81: {  	_ =	shalt  }
0x82: {  	_ =	shalt  }
0x83: {  	_ =	shalt  }
0x84: {  	_ =	shalt  }
0x85: {  	_ =	shalt  }
0x86: {  	_ =	shalt  }
0x87: {  	_ =	shalt  }
.Lfunc_end0:
.L_simem_size_0:
called_computation_lowered:
.L_overlay_start_0:
0x88: {  	s2 =	sld [smem:$0x3FD9]  }
0x89: {  	s3 =	sld [smem:$0x3FFE];
	_ =	sdelay $0x1  }
0x8a: {  	s1 =	srdreg.scid  }
0x8b: {  	s0 =	sand.u32 $0x1, s1  }
0x8c: {  	s17 =	sshll.u32 s0, $0xA;
	s2 =	sadd.s32 s3, s2  }
0x8d: {  	s2 =	sadd.s32 s2, s17  }
0x8e: {  	[smem:$0x3FC4] =	sst s2  }
0x8f: {  	_ = 	snop  }
0x90: {  	s2 =	sld [smem:$0x3FC8]  }
0x91: {  	s18 =	sld [smem:$0x3FD0];
	(tm) =	ssettm $0x1  }
0x92: {  	s4 =	sld [smem:$0x3FFB];
	_ =	sdelay $0x3  }
0x93: {  	_ =	strace s4  }
0x94: {  	s4 =	sld [smem:$0x3FFC];
	_ =	sdelay $0x3  }
0x95: {  	_ =	strace s4  }
0x96: {  	s4 =	sld [smem:$0x3FFD];
	_ =	sdelay $0x3  }
0x97: {  	_ =	strace s4  }
0x98: {  	_ =	strace $0x8FFFFFFF  }
0x99: {  	s19 =	sld [smem:$0x3FDB];
	_ =	sdelay $0x1  }
0x9a: {  	s5 =	simm.s32 $_scs_section_size  }
0x9b: {  	s6 =	simm.s32 $_size__tile_overlayer_lowered;
	s7 =	simm.s32 $_tile_overlayer_lowered  }
0x9c: {  	s22 =	simm.s32 $0x1BFF;
	s21 =	sshll.u32 s7, $0x1;
	s4 =	sadd.s32 s5, s19  }
0x9d: {  	s8 =	simm.s32 $0x0;
	s20 =	sshll.u32 s6, $0x1;
	s6 =	sadd.s32 s21, s4  }
0x9e: {  	[timem:s8], [sflag:s22] =	dma.local [hbm:s6], s20  }
0x9f: {  	_ =	swait.ge [sflag:s22], s20  }
0xa0: {  	s5 =	ssub.s32 $0x0, s20;
	[sflag:s22] =	ssyncset.done $0x0  }
0xa1: {  	[sflag:s22] =	ssyncadd.s32 s5;
	_ =	sdelay $0x1  }
0xa2: {  	s23 =	simm.s32 $0x1B8B  }
0xa3: {  	_ =	swait.ge [sflag:s23], $0x1  }
0xa4: {  	[sflag:s23] =	ssyncset.done $0x0  }
0xa5: {  	s25 =	simm.s32 $0x1B8E;
	s24 =	sld [smem:$0x3FFE];
	[sflag:s23] =	ssyncadd.s32 $0xFFFFFFFF  }
0xa6: {  	s26 =	simm.s32 $execute0_lowered;
	[smem:$0x3FD2] =	sst s25  }
0xa7: {  	s6 =	sshll.u32 s26, $0x1;
	_ =	strace $0x80000046;
	[dreg:$0x1] =	wrdreg $0xFFFFFFFF  }
0xa8: {  	s28 =	simm.s32 $_size_execute0_lowered;
	s4 =	sadd.s32 s4, s6;
	[dreg:$0x0] =	wrdreg $0x0  }
0xa9: {  	s6 =	sshll.u32 s28, $0x1;
	[dreg:$0x2] =	wrdreg s4  }
0xaa: {  	[dreg:$0x3] =	wrdreg s6  }
0xab: {  	[dreg:$0x4] =	wrdreg $0xC0  }
0xac: {  	_ =	task [dreg:s8], $0x5FFFF  }
0xad: {  	[dreg:$0x1] =	wrdreg $0xFFFFFFFF  }
0xae: {  	[dreg:$0x0] =	wrdreg $0x60  }
0xaf: {  	[dreg:$0x2] =	wrdreg s2  }
0xb0: {  	[dreg:$0x3] =	wrdreg s18  }
0xb1: {  	[dreg:$0x4] =	wrdreg s24  }
0xb2: {  	[dreg:$0x5] =	wrdreg $0x9  }
0xb3: {  	_ =	task.clear_ibuf [dreg:s8], $0x6FFFF;
	_ =	strace $0x90000046  }
0xb4: {  	s29 =	simm.s32 $0x9;
	_ =	strace $0x80000048  }
0xb5: {  	_ =	swait.ge [sflag:s29], $0x1  }
0xb6: {  	[sflag:s29] =	ssyncadd.s32 $0xFFFFFFFF  }
0xb7: {  	_ =	strace $0x90000048  }
0xb8: {  	_ =	sfence  }
0xb9: {  	s30 =	sld [smem:$0x0];
	_ =	sdelay $0x2  }
0xba: {  	s31 =	sshll.u32 s1, $0xD;
	s1 =	sshrl.u32 s1, $0x2  }
0xbb: {  	s3 =	sand.u32 $0x4000, s31;
	s1 =	sadd.s32 s1, s30  }
0xbc: {  	s0 =	sor.u32 s3, s0;
	s1 =	sshll.u32 s1, $0x11  }
0xbd: {  	s0 =	sor.u32 s1, s0  }
0xbe: {  	s0 =	sadd.s32 $0x8F2B, s0  }
0xbf: {  	[sflag:s0] =	ssyncadd.remote.s32 $0x1  }
0xc0: {  	_ =	sfence.sel $0xFFFF  }
0xc1: {  	[dreg:$0x0] =	wrdreg $0xFFFFFFFF;
	(pc) =	sbr.abs _section_cstart, $3  }
0xc2: {  	[dreg:$0x1] =	wrdreg $0xFFFFFFFF  }
0xc3: {  	_ =	task.clear_ibuf [dreg:s8], $0x2FFFF;
	_ =	strace $0x9FFFFFFF  }
0xc4: {  	(tm) =	ssettm $0x7FFFFFFF  }
0xc5: {  	_ =	shalt  }
tec
execute0_lowered:
.L_overlay_start_1:
0x0: {  	(tag) =	ssettag $0x1  }
0x1: {  	s0 =	srdreg.scid;
	s2 =	stileid.u32  }
0x2: {  	s0 =	sand.u32 $0x1, s0;
	s2 =	sshll.u32 s2, $0x1  }
0x3: {  	s3 =	rddreg [dreg:$0x0];
	s5 =	sor.u32 s0, s2  }
0x4: {  	s1 =	rddreg [dreg:$0x1];
	s6 =	smul.u32 $0x180, s5  }
0x5: {  	s4 =	rddreg [dreg:$0x2];
	s2 =	simm.s32 $0x0;
	s7 =	smul.u32 $0x32000, s5  }
0x6: {  	[smem:$0x7FF] =	sst s2;
	s5 =	smul.u32 $0x6400, s5  }
0x7: {  	s4 =	sadd.s32 $0x800, s4;
	_ =	strace $0x80000047;
	s1 =	sadd.s32 s1, s6  }
0x8: {  	s26 =	sshrl.u32 s7, $0x3;
	s7 =	sadd.s32 s4, s5;
	[dreg:$0x4] =	wrdreg s1  }
0x9: {  	s5 =	simm.s32 $0x80;
	[dreg:$0x5] =	wrdreg s7  }
0xa: {  	s6 =	simm.s32 $0x100;
	[dreg:$0x19] =	wrdreg s5  }
0xb: {  	s4 =	sadd.s32 s4, s26;
	[dreg:$0x1a] =	wrdreg s6;
	s7 =	simm.s32 $0x180  }
0xc: {  	s8 =	sadd.s32 $0x500, s4;
	[dreg:$0x1b] =	wrdreg s7  }
0xd: {  	s9 =	sadd.s32 $0xA00, s4;
	[dreg:$0x6] =	wrdreg s8  }
0xe: {  	s10 =	sadd.s32 $0xF00, s4;
	[dreg:$0x7] =	wrdreg s9  }
0xf: {  	s11 =	sadd.s32 $0x1400, s4;
	[dreg:$0x8] =	wrdreg s10  }
0x10: {  	s12 =	sadd.s32 $0x1900, s4;
	[dreg:$0x9] =	wrdreg s11  }
0x11: {  	s13 =	sadd.s32 $0x1E00, s4;
	[dreg:$0xa] =	wrdreg s12  }
0x12: {  	s14 =	sadd.s32 $0x2300, s4;
	[dreg:$0xb] =	wrdreg s13  }
0x13: {  	s15 =	sadd.s32 $0x2800, s4;
	[dreg:$0xc] =	wrdreg s14  }
0x14: {  	s16 =	sadd.s32 $0x2D00, s4;
	[dreg:$0xd] =	wrdreg s15  }
0x15: {  	s17 =	sadd.s32 $0x3200, s4;
	[dreg:$0xe] =	wrdreg s16  }
0x16: {  	s18 =	sadd.s32 $0x3700, s4;
	[dreg:$0xf] =	wrdreg s17  }
0x17: {  	s28 =	simm.s32 $0x3;
	s19 =	sadd.s32 $0x3C00, s4;
	[dreg:$0x10] =	wrdreg s18  }
0x18: {  	s30 =	simm.s32 $0x4;
	s20 =	sadd.s32 $0x4100, s4;
	[dreg:$0x11] =	wrdreg s19  }
0x19: {  	s31 =	simm.s32 $0x5;
	s21 =	sadd.s32 $0x4600, s4;
	[dreg:$0x12] =	wrdreg s20  }
0x1a: {  	p0 =	por $0x0, $0x0;
	s22 =	sadd.s32 $0x4B00, s4;
	[dreg:$0x13] =	wrdreg s21  }
0x1b: {  	s29 =	simm.s32 $0x7;
	s23 =	sadd.s32 $0x5000, s4;
	[dreg:$0x14] =	wrdreg s22  }
0x1c: {  	s0 =	ssub.s32 $0x2, s0;
	s24 =	sadd.s32 $0x5500, s4;
	[dreg:$0x15] =	wrdreg s23  }
0x1d: {  	s26 =	sshrl.u32 s0, $0x1;
	s25 =	sadd.s32 $0x5A00, s4;
	[dreg:$0x16] =	wrdreg s24  }
0x1e: {  	s5 =	simm.s32 $0xC00;
	s4 =	sadd.s32 $0x5F00, s4;
	[dreg:$0x17] =	wrdreg s25  }
0x1f: {  	s0 =	ssub.s32 s0, s26;
	s26 =	simm.s32 $0x980;
	[dreg:$0x18] =	wrdreg s4  }
0x20: {  	s6 =	simm.s32 $0xA;
	s8 =	simm.s32 $0x200;
	[smem:$0x7FD] =	sst s26  }
0x21: {  	s1 =	simm.s32 $0x6;
	s9 =	simm.s32 $0x280;
	[dreg:$0x1c] =	wrdreg s8  }
0x22: {  	s7 =	simm.s32 $0xB;
	s10 =	simm.s32 $0x300;
	[dreg:$0x1d] =	wrdreg s9  }
0x23: {  	s0 =	smax.u32 s0, $0x1;
	s11 =	simm.s32 $0x380;
	[dreg:$0x1e] =	wrdreg s10  }
0x24: {  	s24 =	simm.s32 $0x13;
	s13 =	simm.s32 $0x400;
	[dreg:$0x1f] =	wrdreg s11  }
0x25: {  	s21 =	simm.s32 $0x50;
	s14 =	simm.s32 $0x480;
	[smem:$0x7F2] =	sst s13  }
0x26: {  	s4 =	simm.s32 $0x3400;
	s15 =	simm.s32 $0x500;
	[smem:$0x7F3] =	sst s14  }
0x27: {  	s12 =	simm.s32 $0x5C00;
	s16 =	simm.s32 $0x580;
	[smem:$0x7F4] =	sst s15  }
0x28: {  	s17 =	simm.s32 $0x600;
	s18 =	simm.s32 $0x680;
	[smem:$0x7F5] =	sst s16  }
0x29: {  	s19 =	simm.s32 $0x700;
	s20 =	simm.s32 $0x780;
	[smem:$0x7F6] =	sst s17  }
0x2a: {  	s22 =	simm.s32 $0x800;
	s23 =	simm.s32 $0x880;
	[smem:$0x7F7] =	sst s18  }
0x2b: {  	s25 =	simm.s32 $0x900;
	s26 =	simm.s32 $0x8;
	[smem:$0x7F8] =	sst s19  }
0x2c: {  	s8 =	simm.s32 $0x1;
	[smem:$0x7F9] =	sst s20;
	p1 =	sne.s32 s0, $0x1  }
.Ltmp0:
0x2d: {  	s11 =	simm.s32 $0x2;
	[smem:$0x7FA] =	sst s22;
	(pc) =	sbr.rel @!p1 .LBB2_4-.Ltmp0, $4  }
0x2e: {  	s9 =	simm.s32 $0xC;
	[smem:$0x7FB] =	sst s23;
	s13 =	simm.s32 $0xD  }
0x2f: {  	[smem:$0x7FC] =	sst s25;
	s16 =	simm.s32 $0xE;
	s0 =	sadd.s32 $0xFFFFFFFF, s0  }
0x30: {  	s20 =	simm.s32 $0xF;
	s18 =	simm.s32 $0x10;
	s17 =	simm.s32 $0x11  }
0x31: {  	s25 =	simm.s32 $0x9;
	s14 =	simm.s32 $0x12;
	s10 =	rddreg [dreg:$0x4]  }
0x32: {  	[tilespmem:s2], [sflag:$0x13] =	stream.linear.gather [hbm4b:s10+s2], $0xA00, $0x38;
	[tilespmem:$0x17400] =	vst v63  }
0x33: {  	_ =	swait.ge [sflag:s24], $0xA00  }
0x34: {  	[sflag:s24] =	ssyncset.done $0x0;
	s22 =	rddreg [dreg:$0x19]  }
0x35: {  	[smem:$0x7F1] =	sst s0;
	[sflag:s24] =	ssyncadd.s32 $0xFFFFF600  }
0x36: {  	[tilespmem:s5], [sflag:$0x1] =	stream.indirect.gather [hbm4b:s3+s21], $0x80, s2, s21, $0xb8;
	[tilespmem:$0x17400] =	vst v63  }
0x37: {  	s23 =	rddreg [dreg:$0x1a]  }
0x38: {  	[tilespmem:s4], [sflag:$0x2] =	stream.indirect.gather [hbm4b:s3+s21], $0x80, s22, s21, $0xb8;
	[tilespmem:$0x17400] =	vst v63  }
0x39: {  	s9 =	rddreg [dreg:$0x1d]  }
0x3a: {  	[tilespmem:s12], [sflag:$0x3] =	stream.indirect.gather [hbm4b:s3+s21], $0x80, s23, s21, $0xb8;
	[tilespmem:$0x17400] =	vst v63  }
0x3b: {  	s4 =	rddreg [dreg:$0x1b];
	s23 =	simm.s32 $0x8400  }
0x3c: {  	[tilespmem:s23], [sflag:$0x4] =	stream.indirect.gather [hbm4b:s3+s21], $0x80, s4, s21, $0xb8;
	[tilespmem:$0x17400] =	vst v63  }
0x3d: {  	s5 =	rddreg [dreg:$0x1c];
	s22 =	simm.s32 $0xAC00  }
0x3e: {  	[tilespmem:s22], [sflag:$0x5] =	stream.indirect.gather [hbm4b:s3+s21], $0x80, s5, s21, $0xb8;
	[tilespmem:$0x17400] =	vst v63  }
0x3f: {  	s19 =	simm.s32 $0xD400;
	s13 =	rddreg [dreg:$0x1e]  }
0x40: {  	[tilespmem:s19], [sflag:$0x6] =	stream.indirect.gather [hbm4b:s3+s21], $0x80, s9, s21, $0xb8;
	[tilespmem:$0x17400] =	vst v63  }
0x41: {  	s15 =	simm.s32 $0xFC00;
	s10 =	rddreg [dreg:$0x1f]  }
0x42: {  	[tilespmem:s15], [sflag:$0x7] =	stream.indirect.gather [hbm4b:s3+s21], $0x80, s13, s21, $0xb8;
	[tilespmem:$0x17400] =	vst v63  }
0x43: {  	s0 =	sld [smem:$0x7F2];
	s4 =	simm.s32 $0x12400  }
0x44: {  	[tilespmem:s4], [sflag:$0x8] =	stream.indirect.gather [hbm4b:s3+s21], $0x80, s10, s21, $0xb8;
	[tilespmem:$0x17400] =	vst v63  }
0x45: {  	s10 =	simm.s32 $0x14C00  }
0x46: {  	[tilespmem:s10], [sflag:$0x9] =	stream.indirect.gather [hbm4b:s3+s21], $0x80, s0, s21, $0xb8;
	[tilespmem:$0x17400] =	vst v63  }
0x47: {  	_ =	swait.ge [sflag:s8], $0x2800  }
0x48: {  	[sflag:s8] =	ssyncset.done $0x0  }
0x49: {  	s9 =	simm.s32 $0xC00;
	s0 =	rddreg [dreg:$0x5];
	[sflag:s8] =	ssyncadd.s32 $0xFFFFD800  }
0x4a: {  	[hbm4b:s0+s2] =	stream.linear.scatter [tilespmem:s9], [sflag:$0xA], $0x2800, $0x38;
	[tilespmem:$0x17400] =	vst v63  }
0x4b: {  	_ =	swait.ge [sflag:s6], $0x2800  }
0x4c: {  	s0 =	sld [smem:$0x7F3]  }
0x4d: {  	[sflag:s6] =	ssyncset.done $0x0  }
0x4e: {  	[sflag:s6] =	ssyncadd.s32 $0xFFFFD800  }
0x4f: {  	[tilespmem:s9], [sflag:$0x1] =	stream.indirect.gather [hbm4b:s3+s21], $0x80, s0, s21, $0xb8;
	[tilespmem:$0x17400] =	vst v63  }
0x50: {  	_ =	swait.ge [sflag:s11], $0x2800  }
0x51: {  	[sflag:s11] =	ssyncset.done $0x0  }
0x52: {  	s5 =	simm.s32 $0x3400;
	s0 =	rddreg [dreg:$0x6];
	[sflag:s11] =	ssyncadd.s32 $0xFFFFD800  }
0x53: {  	[hbm4b:s0+s2] =	stream.linear.scatter [tilespmem:s5], [sflag:$0xB], $0x2800, $0x38;
	[tilespmem:$0x17400] =	vst v63  }
0x54: {  	_ =	swait.ge [sflag:s7], $0x2800  }
0x55: {  	s0 =	sld [smem:$0x7F4]  }
0x56: {  	[sflag:s7] =	ssyncset.done $0x0  }
0x57: {  	[sflag:s7] =	ssyncadd.s32 $0xFFFFD800  }
0x58: {  	[tilespmem:s5], [sflag:$0x2] =	stream.indirect.gather [hbm4b:s3+s21], $0x80, s0, s21, $0xb8;
	[tilespmem:$0x17400] =	vst v63  }
0x59: {  	_ =	swait.ge [sflag:s28], $0x2800  }
0x5a: {  	[sflag:s28] =	ssyncset.done $0x0  }
0x5b: {  	s13 =	simm.s32 $0xC;
	s0 =	rddreg [dreg:$0x7];
	[sflag:s28] =	ssyncadd.s32 $0xFFFFD800  }
0x5c: {  	[hbm4b:s0+s2] =	stream.linear.scatter [tilespmem:s12], [sflag:$0xC], $0x2800, $0x38;
	[tilespmem:$0x17400] =	vst v63  }
0x5d: {  	_ =	swait.ge [sflag:s13], $0x2800  }
0x5e: {  	s0 =	sld [smem:$0x7F5]  }
0x5f: {  	[sflag:s13] =	ssyncset.done $0x0  }
0x60: {  	[sflag:s13] =	ssyncadd.s32 $0xFFFFD800  }
0x61: {  	[tilespmem:s12], [sflag:$0x3] =	stream.indirect.gather [hbm4b:s3+s21], $0x80, s0, s21, $0xb8;
	[tilespmem:$0x17400] =	vst v63  }
0x62: {  	_ =	swait.ge [sflag:s30], $0x2800  }
0x63: {  	[sflag:s30] =	ssyncset.done $0x0  }
0x64: {  	s13 =	simm.s32 $0xD;
	s0 =	rddreg [dreg:$0x8];
	[sflag:s30] =	ssyncadd.s32 $0xFFFFD800  }
0x65: {  	[hbm4b:s0+s2] =	stream.linear.scatter [tilespmem:s23], [sflag:$0xD], $0x2800, $0x38;
	[tilespmem:$0x17400] =	vst v63  }
0x66: {  	_ =	swait.ge [sflag:s13], $0x2800  }
0x67: {  	s0 =	sld [smem:$0x7F6]  }
0x68: {  	[sflag:s13] =	ssyncset.done $0x0  }
0x69: {  	[sflag:s13] =	ssyncadd.s32 $0xFFFFD800  }
0x6a: {  	[tilespmem:s23], [sflag:$0x4] =	stream.indirect.gather [hbm4b:s3+s21], $0x80, s0, s21, $0xb8;
	[tilespmem:$0x17400] =	vst v63  }
0x6b: {  	_ =	swait.ge [sflag:s31], $0x2800  }
0x6c: {  	[sflag:s31] =	ssyncset.done $0x0  }
0x6d: {  	s0 =	rddreg [dreg:$0x9];
	[sflag:s31] =	ssyncadd.s32 $0xFFFFD800  }
0x6e: {  	[hbm4b:s0+s2] =	stream.linear.scatter [tilespmem:s22], [sflag:$0xE], $0x2800, $0x38;
	[tilespmem:$0x17400] =	vst v63  }
0x6f: {  	_ =	swait.ge [sflag:s16], $0x2800  }
0x70: {  	s0 =	sld [smem:$0x7F7]  }
0x71: {  	[sflag:s16] =	ssyncset.done $0x0  }
0x72: {  	[sflag:s16] =	ssyncadd.s32 $0xFFFFD800  }
0x73: {  	[tilespmem:s22], [sflag:$0x5] =	stream.indirect.gather [hbm4b:s3+s21], $0x80, s0, s21, $0xb8;
	[tilespmem:$0x17400] =	vst v63  }
0x74: {  	_ =	swait.ge [sflag:s1], $0x2800  }
0x75: {  	[sflag:s1] =	ssyncset.done $0x0  }
0x76: {  	s0 =	rddreg [dreg:$0xa];
	[sflag:s1] =	ssyncadd.s32 $0xFFFFD800  }
0x77: {  	[hbm4b:s0+s2] =	stream.linear.scatter [tilespmem:s19], [sflag:$0xF], $0x2800, $0x38;
	[tilespmem:$0x17400] =	vst v63  }
0x78: {  	_ =	swait.ge [sflag:s20], $0x2800  }
0x79: {  	s0 =	sld [smem:$0x7F8]  }
0x7a: {  	[sflag:s20] =	ssyncset.done $0x0  }
0x7b: {  	[sflag:s20] =	ssyncadd.s32 $0xFFFFD800  }
0x7c: {  	[tilespmem:s19], [sflag:$0x6] =	stream.indirect.gather [hbm4b:s3+s21], $0x80, s0, s21, $0xb8;
	[tilespmem:$0x17400] =	vst v63  }
0x7d: {  	_ =	swait.ge [sflag:s29], $0x2800  }
0x7e: {  	[sflag:s29] =	ssyncset.done $0x0  }
0x7f: {  	s0 =	rddreg [dreg:$0xb];
	[sflag:s29] =	ssyncadd.s32 $0xFFFFD800  }
0x80: {  	[hbm4b:s0+s2] =	stream.linear.scatter [tilespmem:s15], [sflag:$0x10], $0x2800, $0x38;
	[tilespmem:$0x17400] =	vst v63  }
0x81: {  	_ =	swait.ge [sflag:s18], $0x2800  }
0x82: {  	s0 =	sld [smem:$0x7F9]  }
0x83: {  	[sflag:s18] =	ssyncset.done $0x0  }
0x84: {  	[sflag:s18] =	ssyncadd.s32 $0xFFFFD800  }
0x85: {  	[tilespmem:s15], [sflag:$0x7] =	stream.indirect.gather [hbm4b:s3+s21], $0x80, s0, s21, $0xb8;
	[tilespmem:$0x17400] =	vst v63  }
0x86: {  	_ =	swait.ge [sflag:s26], $0x2800  }
0x87: {  	[sflag:s26] =	ssyncset.done $0x0  }
0x88: {  	s0 =	rddreg [dreg:$0xc];
	[sflag:s26] =	ssyncadd.s32 $0xFFFFD800  }
0x89: {  	[hbm4b:s0+s2] =	stream.linear.scatter [tilespmem:s4], [sflag:$0x11], $0x2800, $0x38;
	[tilespmem:$0x17400] =	vst v63  }
0x8a: {  	_ =	swait.ge [sflag:s17], $0x2800  }
0x8b: {  	s0 =	sld [smem:$0x7FA]  }
0x8c: {  	[sflag:s17] =	ssyncset.done $0x0  }
0x8d: {  	[sflag:s17] =	ssyncadd.s32 $0xFFFFD800  }
0x8e: {  	[tilespmem:s4], [sflag:$0x8] =	stream.indirect.gather [hbm4b:s3+s21], $0x80, s0, s21, $0xb8;
	[tilespmem:$0x17400] =	vst v63  }
0x8f: {  	_ =	swait.ge [sflag:s25], $0x2800  }
0x90: {  	[sflag:s25] =	ssyncset.done $0x0  }
0x91: {  	s0 =	rddreg [dreg:$0xd];
	[sflag:s25] =	ssyncadd.s32 $0xFFFFD800  }
0x92: {  	[hbm4b:s0+s2] =	stream.linear.scatter [tilespmem:s10], [sflag:$0x12], $0x2800, $0x38;
	[tilespmem:$0x17400] =	vst v63  }
0x93: {  	_ =	swait.ge [sflag:s14], $0x2800  }
0x94: {  	s0 =	sld [smem:$0x7FB]  }
0x95: {  	[sflag:s14] =	ssyncset.done $0x0  }
0x96: {  	[sflag:s14] =	ssyncadd.s32 $0xFFFFD800  }
0x97: {  	[tilespmem:s10], [sflag:$0x9] =	stream.indirect.gather [hbm4b:s3+s21], $0x80, s0, s21, $0xb8;
	[tilespmem:$0x17400] =	vst v63  }
0x98: {  	_ =	swait.ge [sflag:s8], $0x2800  }
0x99: {  	[sflag:s8] =	ssyncset.done $0x0  }
0x9a: {  	s0 =	rddreg [dreg:$0xe];
	[sflag:s8] =	ssyncadd.s32 $0xFFFFD800  }
0x9b: {  	[hbm4b:s0+s2] =	stream.linear.scatter [tilespmem:s9], [sflag:$0xA], $0x2800, $0x38;
	[tilespmem:$0x17400] =	vst v63  }
0x9c: {  	_ =	swait.ge [sflag:s6], $0x2800  }
0x9d: {  	s0 =	sld [smem:$0x7FC]  }
0x9e: {  	[sflag:s6] =	ssyncset.done $0x0  }
0x9f: {  	[sflag:s6] =	ssyncadd.s32 $0xFFFFD800  }
0xa0: {  	[tilespmem:s9], [sflag:$0x1] =	stream.indirect.gather [hbm4b:s3+s21], $0x80, s0, s21, $0xb8;
	[tilespmem:$0x17400] =	vst v63  }
0xa1: {  	_ =	swait.ge [sflag:s11], $0x2800  }
0xa2: {  	[sflag:s11] =	ssyncset.done $0x0  }
0xa3: {  	s0 =	rddreg [dreg:$0xf];
	[sflag:s11] =	ssyncadd.s32 $0xFFFFD800  }
0xa4: {  	[hbm4b:s0+s2] =	stream.linear.scatter [tilespmem:s5], [sflag:$0xB], $0x2800, $0x38;
	[tilespmem:$0x17400] =	vst v63  }
0xa5: {  	_ =	swait.ge [sflag:s7], $0x2800  }
0xa6: {  	s0 =	sld [smem:$0x7FD]  }
0xa7: {  	[sflag:s7] =	ssyncset.done $0x0  }
0xa8: {  	[sflag:s7] =	ssyncadd.s32 $0xFFFFD800  }
0xa9: {  	[tilespmem:s5], [sflag:$0x2] =	stream.indirect.gather [hbm4b:s3+s21], $0x80, s0, s21, $0xb8;
	[tilespmem:$0x17400] =	vst v63  }
0xaa: {  	_ =	swait.ge [sflag:s28], $0x2800  }
0xab: {  	[sflag:s28] =	ssyncset.done $0x0  }
0xac: {  	s0 =	rddreg [dreg:$0x10];
	[sflag:s28] =	ssyncadd.s32 $0xFFFFD800  }
0xad: {  	[hbm4b:s0+s2] =	stream.linear.scatter [tilespmem:s12], [sflag:$0xC], $0x2800, $0x38;
	[tilespmem:$0x17400] =	vst v63  }
0xae: {  	_ =	swait.ge [sflag:s30], $0x2800  }
0xaf: {  	[sflag:s30] =	ssyncset.done $0x0  }
0xb0: {  	s0 =	rddreg [dreg:$0x11];
	[sflag:s30] =	ssyncadd.s32 $0xFFFFD800  }
0xb1: {  	[hbm4b:s0+s2] =	stream.linear.scatter [tilespmem:s23], [sflag:$0xD], $0x2800, $0x38;
	[tilespmem:$0x17400] =	vst v63  }
0xb2: {  	_ =	swait.ge [sflag:s31], $0x2800  }
0xb3: {  	[sflag:s31] =	ssyncset.done $0x0  }
0xb4: {  	s23 =	rddreg [dreg:$0x12];
	[sflag:s31] =	ssyncadd.s32 $0xFFFFD800  }
0xb5: {  	[hbm4b:s23+s2] =	stream.linear.scatter [tilespmem:s22], [sflag:$0xE], $0x2800, $0x38;
	[tilespmem:$0x17400] =	vst v63  }
0xb6: {  	_ =	swait.ge [sflag:s1], $0x2800  }
0xb7: {  	[sflag:s1] =	ssyncset.done $0x0  }
0xb8: {  	s23 =	rddreg [dreg:$0x13];
	[sflag:s1] =	ssyncadd.s32 $0xFFFFD800  }
0xb9: {  	[hbm4b:s23+s2] =	stream.linear.scatter [tilespmem:s19], [sflag:$0xF], $0x2800, $0x38;
	[tilespmem:$0x17400] =	vst v63  }
0xba: {  	_ =	swait.ge [sflag:s29], $0x2800  }
0xbb: {  	[sflag:s29] =	ssyncset.done $0x0  }
0xbc: {  	s22 =	rddreg [dreg:$0x14];
	[sflag:s29] =	ssyncadd.s32 $0xFFFFD800  }
0xbd: {  	[hbm4b:s22+s2] =	stream.linear.scatter [tilespmem:s15], [sflag:$0x10], $0x2800, $0x38;
	[tilespmem:$0x17400] =	vst v63  }
0xbe: {  	_ =	swait.ge [sflag:s26], $0x2800  }
0xbf: {  	[sflag:s26] =	ssyncset.done $0x0  }
0xc0: {  	s23 =	rddreg [dreg:$0x15];
	[sflag:s26] =	ssyncadd.s32 $0xFFFFD800  }
0xc1: {  	[hbm4b:s23+s2] =	stream.linear.scatter [tilespmem:s4], [sflag:$0x11], $0x2800, $0x38;
	[tilespmem:$0x17400] =	vst v63  }
0xc2: {  	_ =	swait.ge [sflag:s25], $0x2800  }
0xc3: {  	[sflag:s25] =	ssyncset.done $0x0  }
0xc4: {  	s15 =	rddreg [dreg:$0x16];
	[sflag:s25] =	ssyncadd.s32 $0xFFFFD800  }
0xc5: {  	[hbm4b:s15+s2] =	stream.linear.scatter [tilespmem:s10], [sflag:$0x12], $0x2800, $0x38;
	[tilespmem:$0x17400] =	vst v63  }
0xc6: {  	_ =	swait.ge [sflag:s8], $0x2800  }
0xc7: {  	[sflag:s8] =	ssyncset.done $0x0  }
0xc8: {  	s5 =	simm.s32 $0xC00;
	s19 =	rddreg [dreg:$0x17];
	[sflag:s8] =	ssyncadd.s32 $0xFFFFD800  }
0xc9: {  	[hbm4b:s19+s2] =	stream.linear.scatter [tilespmem:s5], [sflag:$0xA], $0x2800, $0x38;
	[tilespmem:$0x17400] =	vst v63  }
0xca: {  	_ =	swait.ge [sflag:s11], $0x2800  }
0xcb: {  	[sflag:s11] =	ssyncset.done $0x0  }
0xcc: {  	s4 =	simm.s32 $0x3400;
	s22 =	rddreg [dreg:$0x18];
	[sflag:s11] =	ssyncadd.s32 $0xFFFFD800  }
0xcd: {  	[hbm4b:s22+s2] =	stream.linear.scatter [tilespmem:s4], [sflag:$0xB], $0x2800, $0x38;
	[tilespmem:$0x17400] =	vst v63  }
0xce: {  	_ =	swait.ge [sflag:s6], $0x2800  }
0xcf: {  	[sflag:s6] =	ssyncset.done $0x0  }
0xd0: {  	[sflag:s6] =	ssyncadd.s32 $0xFFFFD800  }
0xd1: {  	_ =	swait.ge [sflag:s7], $0x2800  }
0xd2: {  	[sflag:s7] =	ssyncset.done $0x0  }
0xd3: {  	s9 =	simm.s32 $0xC;
	[sflag:s7] =	ssyncadd.s32 $0xFFFFD800  }
0xd4: {  	_ =	swait.ge [sflag:s9], $0x2800  }
0xd5: {  	[sflag:s9] =	ssyncset.done $0x0  }
0xd6: {  	[sflag:s9] =	ssyncadd.s32 $0xFFFFD800  }
0xd7: {  	_ =	swait.ge [sflag:s13], $0x2800  }
0xd8: {  	[sflag:s13] =	ssyncset.done $0x0  }
0xd9: {  	[sflag:s13] =	ssyncadd.s32 $0xFFFFD800  }
0xda: {  	_ =	swait.ge [sflag:s16], $0x2800  }
0xdb: {  	[sflag:s16] =	ssyncset.done $0x0  }
0xdc: {  	[sflag:s16] =	ssyncadd.s32 $0xFFFFD800  }
0xdd: {  	_ =	swait.ge [sflag:s20], $0x2800  }
0xde: {  	[sflag:s20] =	ssyncset.done $0x0  }
0xdf: {  	[sflag:s20] =	ssyncadd.s32 $0xFFFFD800  }
0xe0: {  	_ =	swait.ge [sflag:s18], $0x2800  }
0xe1: {  	[sflag:s18] =	ssyncset.done $0x0  }
0xe2: {  	[sflag:s18] =	ssyncadd.s32 $0xFFFFD800  }
0xe3: {  	_ =	swait.ge [sflag:s17], $0x2800  }
0xe4: {  	s23 =	sld [smem:$0x7F1];
	_ =	sdelay $0x2  }
0xe5: {  	p1 =	sne.s32 s23, $0x1  }
.Ltmp1:
0xe6: {  	_ = 	snop;
	(pc) =	sbr.rel @!p1 .LBB2_4-.Ltmp1, $4  }
0xe7: {  	[sflag:s17] =	ssyncset.done $0x0  }
0xe8: {  	[sflag:s17] =	ssyncadd.s32 $0xFFFFD800  }
0xe9: {  	p0 =	por $0x1, $0x1;
	_ =	swait.ge [sflag:s14], $0x2800  }
0xea: {  	s0 =	sadd.s32 $0xFFFFFFFF, s23;
	s10 =	rddreg [dreg:$0x4];
	[sflag:s14] =	ssyncset.done $0x0  }
0xeb: {  	s23 =	simm.s32 $0x8400  }
0xec: {  	s22 =	simm.s32 $0xAC00;
	s19 =	simm.s32 $0xD400;
	s15 =	simm.s32 $0xFC00  }
.LBB2_3:
0xed: {  	[sflag:s14] =	ssyncadd.s32 $0xFFFFD800  }
0xee: {  	[tilespmem:s2], [sflag:$0x13] =	stream.linear.gather [hbm4b:s10+s2], $0xA00, $0x38;
	[tilespmem:$0x17400] =	vst v63  }
0xef: {  	_ =	swait.ge [sflag:s24], $0xA00  }
0xf0: {  	[sflag:s24] =	ssyncset.done $0x0  }
0xf1: {  	s12 =	rddreg [dreg:$0x1a];
	[sflag:s24] =	ssyncadd.s32 $0xFFFFF600  }
0xf2: {  	[tilespmem:s5], [sflag:$0x1] =	stream.indirect.gather [hbm4b:s3+s21], $0x80, s2, s21, $0xb8;
	[tilespmem:$0x17400] =	vst v63  }
0xf3: {  	s24 =	rddreg [dreg:$0x19]  }
0xf4: {  	[tilespmem:s4], [sflag:$0x2] =	stream.indirect.gather [hbm4b:s3+s21], $0x80, s24, s21, $0xb8;
	[tilespmem:$0x17400] =	vst v63  }
0xf5: {  	s9 =	rddreg [dreg:$0x1b];
	s5 =	simm.s32 $0x5C00  }
0xf6: {  	[tilespmem:s5], [sflag:$0x3] =	stream.indirect.gather [hbm4b:s3+s21], $0x80, s12, s21, $0xb8;
	[tilespmem:$0x17400] =	vst v63  }
0xf7: {  	s13 =	rddreg [dreg:$0x1c]  }
0xf8: {  	[tilespmem:s23], [sflag:$0x4] =	stream.indirect.gather [hbm4b:s3+s21], $0x80, s9, s21, $0xb8;
	[tilespmem:$0x17400] =	vst v63  }
0xf9: {  	s14 =	rddreg [dreg:$0x1d]  }
0xfa: {  	[tilespmem:s22], [sflag:$0x5] =	stream.indirect.gather [hbm4b:s3+s21], $0x80, s13, s21, $0xb8;
	[tilespmem:$0x17400] =	vst v63  }
0xfb: {  	s16 =	rddreg [dreg:$0x1e]  }
0xfc: {  	[tilespmem:s19], [sflag:$0x6] =	stream.indirect.gather [hbm4b:s3+s21], $0x80, s14, s21, $0xb8;
	[tilespmem:$0x17400] =	vst v63  }
0xfd: {  	s17 =	rddreg [dreg:$0x1f]  }
0xfe: {  	[tilespmem:s15], [sflag:$0x7] =	stream.indirect.gather [hbm4b:s3+s21], $0x80, s16, s21, $0xb8;
	[tilespmem:$0x17400] =	vst v63  }
0xff: {  	s4 =	simm.s32 $0x12400;
	s12 =	sld [smem:$0x7F2]  }
0x100: {  	[tilespmem:s4], [sflag:$0x8] =	stream.indirect.gather [hbm4b:s3+s21], $0x80, s17, s21, $0xb8;
	[tilespmem:$0x17400] =	vst v63  }
0x101: {  	s14 =	simm.s32 $0x14C00  }
0x102: {  	[tilespmem:s14], [sflag:$0x9] =	stream.indirect.gather [hbm4b:s3+s21], $0x80, s12, s21, $0xb8;
	[tilespmem:$0x17400] =	vst v63  }
0x103: {  	_ =	swait.ge [sflag:s8], $0x2800  }
0x104: {  	[sflag:s8] =	ssyncset.done $0x0  }
0x105: {  	s9 =	simm.s32 $0xC00;
	s10 =	rddreg [dreg:$0x5];
	[sflag:s8] =	ssyncadd.s32 $0xFFFFD800  }
0x106: {  	[hbm4b:s10+s2] =	stream.linear.scatter [tilespmem:s9], [sflag:$0xA], $0x2800, $0x38;
	[tilespmem:$0x17400] =	vst v63  }
0x107: {  	_ =	swait.ge [sflag:s6], $0x2800  }
0x108: {  	s10 =	sld [smem:$0x7F3]  }
0x109: {  	[sflag:s6] =	ssyncset.done $0x0  }
0x10a: {  	[sflag:s6] =	ssyncadd.s32 $0xFFFFD800  }
0x10b: {  	[tilespmem:s9], [sflag:$0x1] =	stream.indirect.gather [hbm4b:s3+s21], $0x80, s10, s21, $0xb8;
	[tilespmem:$0x17400] =	vst v63  }
0x10c: {  	_ =	swait.ge [sflag:s11], $0x2800  }
0x10d: {  	[sflag:s11] =	ssyncset.done $0x0  }
0x10e: {  	s5 =	simm.s32 $0x3400;
	s10 =	rddreg [dreg:$0x6];
	[sflag:s11] =	ssyncadd.s32 $0xFFFFD800  }
0x10f: {  	[hbm4b:s10+s2] =	stream.linear.scatter [tilespmem:s5], [sflag:$0xB], $0x2800, $0x38;
	[tilespmem:$0x17400] =	vst v63  }
0x110: {  	_ =	swait.ge [sflag:s7], $0x2800  }
0x111: {  	s10 =	sld [smem:$0x7F4]  }
0x112: {  	[sflag:s7] =	ssyncset.done $0x0  }
0x113: {  	[sflag:s7] =	ssyncadd.s32 $0xFFFFD800  }
0x114: {  	[tilespmem:s5], [sflag:$0x2] =	stream.indirect.gather [hbm4b:s3+s21], $0x80, s10, s21, $0xb8;
	[tilespmem:$0x17400] =	vst v63  }
0x115: {  	_ =	swait.ge [sflag:s28], $0x2800  }
0x116: {  	s13 =	simm.s32 $0xC;
	[sflag:s28] =	ssyncset.done $0x0  }
0x117: {  	s12 =	simm.s32 $0x5C00;
	s10 =	rddreg [dreg:$0x7];
	[sflag:s28] =	ssyncadd.s32 $0xFFFFD800  }
0x118: {  	[hbm4b:s10+s2] =	stream.linear.scatter [tilespmem:s12], [sflag:$0xC], $0x2800, $0x38;
	[tilespmem:$0x17400] =	vst v63  }
0x119: {  	_ =	swait.ge [sflag:s13], $0x2800  }
0x11a: {  	s10 =	sld [smem:$0x7F5]  }
0x11b: {  	[sflag:s13] =	ssyncset.done $0x0  }
0x11c: {  	[sflag:s13] =	ssyncadd.s32 $0xFFFFD800  }
0x11d: {  	[tilespmem:s12], [sflag:$0x3] =	stream.indirect.gather [hbm4b:s3+s21], $0x80, s10, s21, $0xb8;
	[tilespmem:$0x17400] =	vst v63  }
0x11e: {  	_ =	swait.ge [sflag:s30], $0x2800  }
0x11f: {  	[sflag:s30] =	ssyncset.done $0x0  }
0x120: {  	s13 =	simm.s32 $0xD;
	s10 =	rddreg [dreg:$0x8];
	[sflag:s30] =	ssyncadd.s32 $0xFFFFD800  }
0x121: {  	[hbm4b:s10+s2] =	stream.linear.scatter [tilespmem:s23], [sflag:$0xD], $0x2800, $0x38;
	[tilespmem:$0x17400] =	vst v63  }
0x122: {  	_ =	swait.ge [sflag:s13], $0x2800  }
0x123: {  	s10 =	sld [smem:$0x7F6]  }
0x124: {  	[sflag:s13] =	ssyncset.done $0x0  }
0x125: {  	[sflag:s13] =	ssyncadd.s32 $0xFFFFD800  }
0x126: {  	[tilespmem:s23], [sflag:$0x4] =	stream.indirect.gather [hbm4b:s3+s21], $0x80, s10, s21, $0xb8;
	[tilespmem:$0x17400] =	vst v63  }
0x127: {  	_ =	swait.ge [sflag:s31], $0x2800  }
0x128: {  	[sflag:s31] =	ssyncset.done $0x0  }
0x129: {  	s17 =	simm.s32 $0xE;
	s10 =	rddreg [dreg:$0x9];
	[sflag:s31] =	ssyncadd.s32 $0xFFFFD800  }
0x12a: {  	[hbm4b:s10+s2] =	stream.linear.scatter [tilespmem:s22], [sflag:$0xE], $0x2800, $0x38;
	[tilespmem:$0x17400] =	vst v63  }
0x12b: {  	_ =	swait.ge [sflag:s17], $0x2800  }
0x12c: {  	s10 =	sld [smem:$0x7F7]  }
0x12d: {  	[sflag:s17] =	ssyncset.done $0x0  }
0x12e: {  	[sflag:s17] =	ssyncadd.s32 $0xFFFFD800  }
0x12f: {  	[tilespmem:s22], [sflag:$0x5] =	stream.indirect.gather [hbm4b:s3+s21], $0x80, s10, s21, $0xb8;
	[tilespmem:$0x17400] =	vst v63  }
0x130: {  	_ =	swait.ge [sflag:s1], $0x2800  }
0x131: {  	[sflag:s1] =	ssyncset.done $0x0  }
0x132: {  	s10 =	rddreg [dreg:$0xa];
	[sflag:s1] =	ssyncadd.s32 $0xFFFFD800  }
0x133: {  	[hbm4b:s10+s2] =	stream.linear.scatter [tilespmem:s19], [sflag:$0xF], $0x2800, $0x38;
	[tilespmem:$0x17400] =	vst v63  }
0x134: {  	_ =	swait.ge [sflag:s20], $0x2800  }
0x135: {  	s10 =	sld [smem:$0x7F8]  }
0x136: {  	[sflag:s20] =	ssyncset.done $0x0  }
0x137: {  	[sflag:s20] =	ssyncadd.s32 $0xFFFFD800  }
0x138: {  	[tilespmem:s19], [sflag:$0x6] =	stream.indirect.gather [hbm4b:s3+s21], $0x80, s10, s21, $0xb8;
	[tilespmem:$0x17400] =	vst v63  }
0x139: {  	_ =	swait.ge [sflag:s29], $0x2800  }
0x13a: {  	[sflag:s29] =	ssyncset.done $0x0  }
0x13b: {  	s10 =	rddreg [dreg:$0xb];
	[sflag:s29] =	ssyncadd.s32 $0xFFFFD800  }
0x13c: {  	[hbm4b:s10+s2] =	stream.linear.scatter [tilespmem:s15], [sflag:$0x10], $0x2800, $0x38;
	[tilespmem:$0x17400] =	vst v63  }
0x13d: {  	_ =	swait.ge [sflag:s18], $0x2800  }
0x13e: {  	s10 =	sld [smem:$0x7F9]  }
0x13f: {  	[sflag:s18] =	ssyncset.done $0x0  }
0x140: {  	[sflag:s18] =	ssyncadd.s32 $0xFFFFD800  }
0x141: {  	[tilespmem:s15], [sflag:$0x7] =	stream.indirect.gather [hbm4b:s3+s21], $0x80, s10, s21, $0xb8;
	[tilespmem:$0x17400] =	vst v63  }
0x142: {  	_ =	swait.ge [sflag:s26], $0x2800  }
0x143: {  	[sflag:s26] =	ssyncset.done $0x0  }
0x144: {  	s17 =	simm.s32 $0x11;
	s10 =	rddreg [dreg:$0xc];
	[sflag:s26] =	ssyncadd.s32 $0xFFFFD800  }
0x145: {  	[hbm4b:s10+s2] =	stream.linear.scatter [tilespmem:s4], [sflag:$0x11], $0x2800, $0x38;
	[tilespmem:$0x17400] =	vst v63  }
0x146: {  	_ =	swait.ge [sflag:s17], $0x2800  }
0x147: {  	s10 =	sld [smem:$0x7FA]  }
0x148: {  	[sflag:s17] =	ssyncset.done $0x0  }
0x149: {  	[sflag:s17] =	ssyncadd.s32 $0xFFFFD800  }
0x14a: {  	[tilespmem:s4], [sflag:$0x8] =	stream.indirect.gather [hbm4b:s3+s21], $0x80, s10, s21, $0xb8;
	[tilespmem:$0x17400] =	vst v63  }
0x14b: {  	_ =	swait.ge [sflag:s25], $0x2800  }
0x14c: {  	[sflag:s25] =	ssyncset.done $0x0  }
0x14d: {  	s16 =	simm.s32 $0x12;
	s10 =	rddreg [dreg:$0xd];
	[sflag:s25] =	ssyncadd.s32 $0xFFFFD800  }
0x14e: {  	[hbm4b:s10+s2] =	stream.linear.scatter [tilespmem:s14], [sflag:$0x12], $0x2800, $0x38;
	[tilespmem:$0x17400] =	vst v63  }
0x14f: {  	_ =	swait.ge [sflag:s16], $0x2800  }
0x150: {  	s10 =	sld [smem:$0x7FB]  }
0x151: {  	[sflag:s16] =	ssyncset.done $0x0  }
0x152: {  	[sflag:s16] =	ssyncadd.s32 $0xFFFFD800  }
0x153: {  	[tilespmem:s14], [sflag:$0x9] =	stream.indirect.gather [hbm4b:s3+s21], $0x80, s10, s21, $0xb8;
	[tilespmem:$0x17400] =	vst v63  }
0x154: {  	_ =	swait.ge [sflag:s8], $0x2800  }
0x155: {  	[sflag:s8] =	ssyncset.done $0x0  }
0x156: {  	s10 =	rddreg [dreg:$0xe];
	[sflag:s8] =	ssyncadd.s32 $0xFFFFD800  }
0x157: {  	[hbm4b:s10+s2] =	stream.linear.scatter [tilespmem:s9], [sflag:$0xA], $0x2800, $0x38;
	[tilespmem:$0x17400] =	vst v63  }
0x158: {  	_ =	swait.ge [sflag:s6], $0x2800  }
0x159: {  	s10 =	sld [smem:$0x7FC]  }
0x15a: {  	[sflag:s6] =	ssyncset.done $0x0  }
0x15b: {  	[sflag:s6] =	ssyncadd.s32 $0xFFFFD800  }
0x15c: {  	[tilespmem:s9], [sflag:$0x1] =	stream.indirect.gather [hbm4b:s3+s21], $0x80, s10, s21, $0xb8;
	[tilespmem:$0x17400] =	vst v63  }
0x15d: {  	_ =	swait.ge [sflag:s11], $0x2800  }
0x15e: {  	[sflag:s11] =	ssyncset.done $0x0  }
0x15f: {  	s10 =	rddreg [dreg:$0xf];
	[sflag:s11] =	ssyncadd.s32 $0xFFFFD800  }
0x160: {  	[hbm4b:s10+s2] =	stream.linear.scatter [tilespmem:s5], [sflag:$0xB], $0x2800, $0x38;
	[tilespmem:$0x17400] =	vst v63  }
0x161: {  	_ =	swait.ge [sflag:s7], $0x2800  }
0x162: {  	s10 =	sld [smem:$0x7FD]  }
0x163: {  	[sflag:s7] =	ssyncset.done $0x0  }
0x164: {  	[sflag:s7] =	ssyncadd.s32 $0xFFFFD800  }
0x165: {  	[tilespmem:s5], [sflag:$0x2] =	stream.indirect.gather [hbm4b:s3+s21], $0x80, s10, s21, $0xb8;
	[tilespmem:$0x17400] =	vst v63  }
0x166: {  	_ =	swait.ge [sflag:s28], $0x2800  }
0x167: {  	[sflag:s28] =	ssyncset.done $0x0  }
0x168: {  	s10 =	rddreg [dreg:$0x10];
	[sflag:s28] =	ssyncadd.s32 $0xFFFFD800  }
0x169: {  	[hbm4b:s10+s2] =	stream.linear.scatter [tilespmem:s12], [sflag:$0xC], $0x2800, $0x38;
	[tilespmem:$0x17400] =	vst v63  }
0x16a: {  	_ =	swait.ge [sflag:s30], $0x2800  }
0x16b: {  	[sflag:s30] =	ssyncset.done $0x0  }
0x16c: {  	s10 =	rddreg [dreg:$0x11];
	[sflag:s30] =	ssyncadd.s32 $0xFFFFD800  }
0x16d: {  	[hbm4b:s10+s2] =	stream.linear.scatter [tilespmem:s23], [sflag:$0xD], $0x2800, $0x38;
	[tilespmem:$0x17400] =	vst v63  }
0x16e: {  	_ =	swait.ge [sflag:s31], $0x2800  }
0x16f: {  	[sflag:s31] =	ssyncset.done $0x0  }
0x170: {  	s10 =	rddreg [dreg:$0x12];
	[sflag:s31] =	ssyncadd.s32 $0xFFFFD800  }
0x171: {  	[hbm4b:s10+s2] =	stream.linear.scatter [tilespmem:s22], [sflag:$0xE], $0x2800, $0x38;
	[tilespmem:$0x17400] =	vst v63  }
0x172: {  	_ =	swait.ge [sflag:s1], $0x2800  }
0x173: {  	[sflag:s1] =	ssyncset.done $0x0  }
0x174: {  	s10 =	rddreg [dreg:$0x13];
	[sflag:s1] =	ssyncadd.s32 $0xFFFFD800  }
0x175: {  	[hbm4b:s10+s2] =	stream.linear.scatter [tilespmem:s19], [sflag:$0xF], $0x2800, $0x38;
	[tilespmem:$0x17400] =	vst v63  }
0x176: {  	_ =	swait.ge [sflag:s29], $0x2800  }
0x177: {  	[sflag:s29] =	ssyncset.done $0x0  }
0x178: {  	s10 =	rddreg [dreg:$0x14];
	[sflag:s29] =	ssyncadd.s32 $0xFFFFD800  }
0x179: {  	[hbm4b:s10+s2] =	stream.linear.scatter [tilespmem:s15], [sflag:$0x10], $0x2800, $0x38;
	[tilespmem:$0x17400] =	vst v63  }
0x17a: {  	_ =	swait.ge [sflag:s26], $0x2800  }
0x17b: {  	[sflag:s26] =	ssyncset.done $0x0  }
0x17c: {  	s10 =	rddreg [dreg:$0x15];
	[sflag:s26] =	ssyncadd.s32 $0xFFFFD800  }
0x17d: {  	[hbm4b:s10+s2] =	stream.linear.scatter [tilespmem:s4], [sflag:$0x11], $0x2800, $0x38;
	[tilespmem:$0x17400] =	vst v63  }
0x17e: {  	_ =	swait.ge [sflag:s25], $0x2800  }
0x17f: {  	[sflag:s25] =	ssyncset.done $0x0  }
0x180: {  	s10 =	rddreg [dreg:$0x16];
	[sflag:s25] =	ssyncadd.s32 $0xFFFFD800  }
0x181: {  	[hbm4b:s10+s2] =	stream.linear.scatter [tilespmem:s14], [sflag:$0x12], $0x2800, $0x38;
	[tilespmem:$0x17400] =	vst v63  }
0x182: {  	_ =	swait.ge [sflag:s8], $0x2800  }
0x183: {  	[sflag:s8] =	ssyncset.done $0x0  }
0x184: {  	s5 =	simm.s32 $0xC00;
	s10 =	rddreg [dreg:$0x17];
	[sflag:s8] =	ssyncadd.s32 $0xFFFFD800  }
0x185: {  	[hbm4b:s10+s2] =	stream.linear.scatter [tilespmem:s5], [sflag:$0xA], $0x2800, $0x38;
	[tilespmem:$0x17400] =	vst v63  }
0x186: {  	_ =	swait.ge [sflag:s11], $0x2800  }
0x187: {  	[sflag:s11] =	ssyncset.done $0x0  }
0x188: {  	s4 =	simm.s32 $0x3400;
	s10 =	rddreg [dreg:$0x18];
	[sflag:s11] =	ssyncadd.s32 $0xFFFFD800  }
0x189: {  	[hbm4b:s10+s2] =	stream.linear.scatter [tilespmem:s4], [sflag:$0xB], $0x2800, $0x38;
	[tilespmem:$0x17400] =	vst v63  }
0x18a: {  	_ =	swait.ge [sflag:s6], $0x2800  }
0x18b: {  	[sflag:s6] =	ssyncset.done $0x0  }
0x18c: {  	[sflag:s6] =	ssyncadd.s32 $0xFFFFD800  }
0x18d: {  	_ =	swait.ge [sflag:s7], $0x2800  }
0x18e: {  	[sflag:s7] =	ssyncset.done $0x0  }
0x18f: {  	s9 =	simm.s32 $0xC;
	[sflag:s7] =	ssyncadd.s32 $0xFFFFD800  }
0x190: {  	_ =	swait.ge [sflag:s9], $0x2800  }
0x191: {  	[sflag:s9] =	ssyncset.done $0x0  }
0x192: {  	[sflag:s9] =	ssyncadd.s32 $0xFFFFD800  }
0x193: {  	_ =	swait.ge [sflag:s13], $0x2800  }
0x194: {  	[sflag:s13] =	ssyncset.done $0x0  }
0x195: {  	s16 =	simm.s32 $0xE;
	[sflag:s13] =	ssyncadd.s32 $0xFFFFD800  }
0x196: {  	_ =	swait.ge [sflag:s16], $0x2800  }
0x197: {  	[sflag:s16] =	ssyncset.done $0x0  }
0x198: {  	[sflag:s16] =	ssyncadd.s32 $0xFFFFD800  }
0x199: {  	_ =	swait.ge [sflag:s20], $0x2800  }
0x19a: {  	[sflag:s20] =	ssyncset.done $0x0  }
0x19b: {  	[sflag:s20] =	ssyncadd.s32 $0xFFFFD800  }
0x19c: {  	_ =	swait.ge [sflag:s18], $0x2800  }
0x19d: {  	[sflag:s18] =	ssyncset.done $0x0  }
0x19e: {  	p1 =	sne.s32 s0, $0x1;
	[sflag:s18] =	ssyncadd.s32 $0xFFFFD800  }
.Ltmp2:
0x19f: {  	_ =	swait.ge [sflag:s17], $0x2800;
	(pc) =	sbr.rel @p1 .LBB2_3-.Ltmp2, $4  }
0x1a0: {  	[sflag:s17] =	ssyncset.done $0x0  }
0x1a1: {  	s14 =	simm.s32 $0x12;
	[sflag:s17] =	ssyncadd.s32 $0xFFFFD800  }
0x1a2: {  	s0 =	sadd.s32 $0xFFFFFFFF, s0;
	_ =	swait.ge [sflag:s14], $0x2800  }
0x1a3: {  	s24 =	simm.s32 $0x13;
	s10 =	rddreg [dreg:$0x4];
	[sflag:s14] =	ssyncset.done $0x0  }
.LBB2_4:
0x1a4: {  	[sflag:s14] =	ssyncadd.s32 @p0 $0xFFFFD800  }
0x1a5: {  	[tilespmem:s2], [sflag:$0x13] =	stream.linear.gather [hbm4b:s10+s2], $0xA00, $0x38;
	[tilespmem:$0x17400] =	vst v63  }
0x1a6: {  	_ =	swait.ge [sflag:s24], $0xA00  }
0x1a7: {  	[sflag:s24] =	ssyncset.done $0x0  }
0x1a8: {  	s0 =	rddreg [dreg:$0x19];
	[sflag:s24] =	ssyncadd.s32 $0xFFFFF600  }
0x1a9: {  	[tilespmem:s5], [sflag:$0x1] =	stream.indirect.gather [hbm4b:s3+s21], $0x80, s2, s21, $0xb8;
	[tilespmem:$0x17400] =	vst v63  }
0x1aa: {  	s19 =	rddreg [dreg:$0x1a]  }
0x1ab: {  	[tilespmem:s4], [sflag:$0x2] =	stream.indirect.gather [hbm4b:s3+s21], $0x80, s0, s21, $0xb8;
	[tilespmem:$0x17400] =	vst v63  }
0x1ac: {  	s22 =	rddreg [dreg:$0x1b]  }
0x1ad: {  	[tilespmem:s12], [sflag:$0x3] =	stream.indirect.gather [hbm4b:s3+s21], $0x80, s19, s21, $0xb8;
	[tilespmem:$0x17400] =	vst v63  }
0x1ae: {  	s23 =	rddreg [dreg:$0x1c];
	s12 =	simm.s32 $0x8400  }
0x1af: {  	[tilespmem:s12], [sflag:$0x4] =	stream.indirect.gather [hbm4b:s3+s21], $0x80, s22, s21, $0xb8;
	[tilespmem:$0x17400] =	vst v63  }
0x1b0: {  	s15 =	rddreg [dreg:$0x1d];
	s24 =	simm.s32 $0xAC00  }
0x1b1: {  	[tilespmem:s24], [sflag:$0x5] =	stream.indirect.gather [hbm4b:s3+s21], $0x80, s23, s21, $0xb8;
	[tilespmem:$0x17400] =	vst v63  }
0x1b2: {  	s10 =	sld [smem:$0x7F2];
	s23 =	simm.s32 $0xD400  }
0x1b3: {  	[tilespmem:s23], [sflag:$0x6] =	stream.indirect.gather [hbm4b:s3+s21], $0x80, s15, s21, $0xb8;
	[tilespmem:$0x17400] =	vst v63  }
0x1b4: {  	s19 =	rddreg [dreg:$0x1e];
	s22 =	simm.s32 $0xFC00  }
0x1b5: {  	[tilespmem:s22], [sflag:$0x7] =	stream.indirect.gather [hbm4b:s3+s21], $0x80, s19, s21, $0xb8;
	[tilespmem:$0x17400] =	vst v63  }
0x1b6: {  	s15 =	rddreg [dreg:$0x1f];
	s19 =	simm.s32 $0x12400  }
0x1b7: {  	[tilespmem:s19], [sflag:$0x8] =	stream.indirect.gather [hbm4b:s3+s21], $0x80, s15, s21, $0xb8;
	[tilespmem:$0x17400] =	vst v63  }
0x1b8: {  	s15 =	simm.s32 $0x14C00  }
0x1b9: {  	[tilespmem:s15], [sflag:$0x9] =	stream.indirect.gather [hbm4b:s3+s21], $0x80, s10, s21, $0xb8;
	[tilespmem:$0x17400] =	vst v63  }
0x1ba: {  	_ =	swait.ge [sflag:s8], $0x2800  }
0x1bb: {  	[sflag:s8] =	ssyncset.done $0x0  }
0x1bc: {  	s10 =	rddreg [dreg:$0x5];
	[sflag:s8] =	ssyncadd.s32 $0xFFFFD800  }
0x1bd: {  	[hbm4b:s10+s2] =	stream.linear.scatter [tilespmem:s5], [sflag:$0xA], $0x2800, $0x38;
	[tilespmem:$0x17400] =	vst v63  }
0x1be: {  	_ =	swait.ge [sflag:s6], $0x2800  }
0x1bf: {  	s10 =	sld [smem:$0x7F3]  }
0x1c0: {  	[sflag:s6] =	ssyncset.done $0x0  }
0x1c1: {  	[sflag:s6] =	ssyncadd.s32 $0xFFFFD800  }
0x1c2: {  	[tilespmem:s5], [sflag:$0x1] =	stream.indirect.gather [hbm4b:s3+s21], $0x80, s10, s21, $0xb8;
	[tilespmem:$0x17400] =	vst v63  }
0x1c3: {  	_ =	swait.ge [sflag:s11], $0x2800  }
0x1c4: {  	[sflag:s11] =	ssyncset.done $0x0  }
0x1c5: {  	s10 =	rddreg [dreg:$0x6];
	[sflag:s11] =	ssyncadd.s32 $0xFFFFD800  }
0x1c6: {  	[hbm4b:s10+s2] =	stream.linear.scatter [tilespmem:s4], [sflag:$0xB], $0x2800, $0x38;
	[tilespmem:$0x17400] =	vst v63  }
0x1c7: {  	_ =	swait.ge [sflag:s7], $0x2800  }
0x1c8: {  	s10 =	sld [smem:$0x7F4]  }
0x1c9: {  	[sflag:s7] =	ssyncset.done $0x0  }
0x1ca: {  	[sflag:s7] =	ssyncadd.s32 $0xFFFFD800  }
0x1cb: {  	[tilespmem:s4], [sflag:$0x2] =	stream.indirect.gather [hbm4b:s3+s21], $0x80, s10, s21, $0xb8;
	[tilespmem:$0x17400] =	vst v63  }
0x1cc: {  	_ =	swait.ge [sflag:s28], $0x2800  }
0x1cd: {  	[sflag:s28] =	ssyncset.done $0x0  }
0x1ce: {  	s10 =	simm.s32 $0x5C00;
	s0 =	rddreg [dreg:$0x7];
	[sflag:s28] =	ssyncadd.s32 $0xFFFFD800  }
0x1cf: {  	[hbm4b:s0+s2] =	stream.linear.scatter [tilespmem:s10], [sflag:$0xC], $0x2800, $0x38;
	[tilespmem:$0x17400] =	vst v63  }
0x1d0: {  	_ =	swait.ge [sflag:s9], $0x2800  }
0x1d1: {  	s0 =	sld [smem:$0x7F5]  }
0x1d2: {  	[sflag:s9] =	ssyncset.done $0x0  }
0x1d3: {  	[sflag:s9] =	ssyncadd.s32 $0xFFFFD800  }
0x1d4: {  	[tilespmem:s10], [sflag:$0x3] =	stream.indirect.gather [hbm4b:s3+s21], $0x80, s0, s21, $0xb8;
	[tilespmem:$0x17400] =	vst v63  }
0x1d5: {  	_ =	swait.ge [sflag:s30], $0x2800  }
0x1d6: {  	[sflag:s30] =	ssyncset.done $0x0  }
0x1d7: {  	s0 =	rddreg [dreg:$0x8];
	[sflag:s30] =	ssyncadd.s32 $0xFFFFD800  }
0x1d8: {  	[hbm4b:s0+s2] =	stream.linear.scatter [tilespmem:s12], [sflag:$0xD], $0x2800, $0x38;
	[tilespmem:$0x17400] =	vst v63  }
0x1d9: {  	_ =	swait.ge [sflag:s13], $0x2800  }
0x1da: {  	s0 =	sld [smem:$0x7F6]  }
0x1db: {  	[sflag:s13] =	ssyncset.done $0x0  }
0x1dc: {  	[sflag:s13] =	ssyncadd.s32 $0xFFFFD800  }
0x1dd: {  	[tilespmem:s12], [sflag:$0x4] =	stream.indirect.gather [hbm4b:s3+s21], $0x80, s0, s21, $0xb8;
	[tilespmem:$0x17400] =	vst v63  }
0x1de: {  	_ =	swait.ge [sflag:s31], $0x2800  }
0x1df: {  	[sflag:s31] =	ssyncset.done $0x0  }
0x1e0: {  	s0 =	rddreg [dreg:$0x9];
	[sflag:s31] =	ssyncadd.s32 $0xFFFFD800  }
0x1e1: {  	[hbm4b:s0+s2] =	stream.linear.scatter [tilespmem:s24], [sflag:$0xE], $0x2800, $0x38;
	[tilespmem:$0x17400] =	vst v63  }
0x1e2: {  	_ =	swait.ge [sflag:s16], $0x2800  }
0x1e3: {  	s0 =	sld [smem:$0x7F7]  }
0x1e4: {  	[sflag:s16] =	ssyncset.done $0x0  }
0x1e5: {  	[sflag:s16] =	ssyncadd.s32 $0xFFFFD800  }
0x1e6: {  	[tilespmem:s24], [sflag:$0x5] =	stream.indirect.gather [hbm4b:s3+s21], $0x80, s0, s21, $0xb8;
	[tilespmem:$0x17400] =	vst v63  }
0x1e7: {  	_ =	swait.ge [sflag:s1], $0x2800  }
0x1e8: {  	[sflag:s1] =	ssyncset.done $0x0  }
0x1e9: {  	s0 =	rddreg [dreg:$0xa];
	[sflag:s1] =	ssyncadd.s32 $0xFFFFD800  }
0x1ea: {  	[hbm4b:s0+s2] =	stream.linear.scatter [tilespmem:s23], [sflag:$0xF], $0x2800, $0x38;
	[tilespmem:$0x17400] =	vst v63  }
0x1eb: {  	_ =	swait.ge [sflag:s20], $0x2800  }
0x1ec: {  	s0 =	sld [smem:$0x7F8]  }
0x1ed: {  	[sflag:s20] =	ssyncset.done $0x0  }
0x1ee: {  	[sflag:s20] =	ssyncadd.s32 $0xFFFFD800  }
0x1ef: {  	[tilespmem:s23], [sflag:$0x6] =	stream.indirect.gather [hbm4b:s3+s21], $0x80, s0, s21, $0xb8;
	[tilespmem:$0x17400] =	vst v63  }
0x1f0: {  	_ =	swait.ge [sflag:s29], $0x2800  }
0x1f1: {  	[sflag:s29] =	ssyncset.done $0x0  }
0x1f2: {  	s0 =	rddreg [dreg:$0xb];
	[sflag:s29] =	ssyncadd.s32 $0xFFFFD800  }
0x1f3: {  	[hbm4b:s0+s2] =	stream.linear.scatter [tilespmem:s22], [sflag:$0x10], $0x2800, $0x38;
	[tilespmem:$0x17400] =	vst v63  }
0x1f4: {  	_ =	swait.ge [sflag:s18], $0x2800  }
0x1f5: {  	s0 =	sld [smem:$0x7F9]  }
0x1f6: {  	[sflag:s18] =	ssyncset.done $0x0  }
0x1f7: {  	[sflag:s18] =	ssyncadd.s32 $0xFFFFD800  }
0x1f8: {  	[tilespmem:s22], [sflag:$0x7] =	stream.indirect.gather [hbm4b:s3+s21], $0x80, s0, s21, $0xb8;
	[tilespmem:$0x17400] =	vst v63  }
0x1f9: {  	_ =	swait.ge [sflag:s26], $0x2800  }
0x1fa: {  	[sflag:s26] =	ssyncset.done $0x0  }
0x1fb: {  	s0 =	rddreg [dreg:$0xc];
	[sflag:s26] =	ssyncadd.s32 $0xFFFFD800  }
0x1fc: {  	[hbm4b:s0+s2] =	stream.linear.scatter [tilespmem:s19], [sflag:$0x11], $0x2800, $0x38;
	[tilespmem:$0x17400] =	vst v63  }
0x1fd: {  	_ =	swait.ge [sflag:s17], $0x2800  }
0x1fe: {  	s0 =	sld [smem:$0x7FA]  }
0x1ff: {  	[sflag:s17] =	ssyncset.done $0x0  }
0x200: {  	[sflag:s17] =	ssyncadd.s32 $0xFFFFD800  }
0x201: {  	[tilespmem:s19], [sflag:$0x8] =	stream.indirect.gather [hbm4b:s3+s21], $0x80, s0, s21, $0xb8;
	[tilespmem:$0x17400] =	vst v63  }
0x202: {  	_ =	swait.ge [sflag:s25], $0x2800  }
0x203: {  	[sflag:s25] =	ssyncset.done $0x0  }
0x204: {  	s0 =	rddreg [dreg:$0xd];
	[sflag:s25] =	ssyncadd.s32 $0xFFFFD800  }
0x205: {  	[hbm4b:s0+s2] =	stream.linear.scatter [tilespmem:s15], [sflag:$0x12], $0x2800, $0x38;
	[tilespmem:$0x17400] =	vst v63  }
0x206: {  	_ =	swait.ge [sflag:s14], $0x2800  }
0x207: {  	s0 =	sld [smem:$0x7FB]  }
0x208: {  	[sflag:s14] =	ssyncset.done $0x0  }
0x209: {  	[sflag:s14] =	ssyncadd.s32 $0xFFFFD800  }
0x20a: {  	[tilespmem:s15], [sflag:$0x9] =	stream.indirect.gather [hbm4b:s3+s21], $0x80, s0, s21, $0xb8;
	[tilespmem:$0x17400] =	vst v63  }
0x20b: {  	_ =	swait.ge [sflag:s8], $0x2800  }
0x20c: {  	[sflag:s8] =	ssyncset.done $0x0  }
0x20d: {  	s0 =	rddreg [dreg:$0xe];
	[sflag:s8] =	ssyncadd.s32 $0xFFFFD800  }
0x20e: {  	[hbm4b:s0+s2] =	stream.linear.scatter [tilespmem:s5], [sflag:$0xA], $0x2800, $0x38;
	[tilespmem:$0x17400] =	vst v63  }
0x20f: {  	_ =	swait.ge [sflag:s6], $0x2800  }
0x210: {  	s0 =	sld [smem:$0x7FC]  }
0x211: {  	[sflag:s6] =	ssyncset.done $0x0  }
0x212: {  	[sflag:s6] =	ssyncadd.s32 $0xFFFFD800  }
0x213: {  	[tilespmem:s5], [sflag:$0x1] =	stream.indirect.gather [hbm4b:s3+s21], $0x80, s0, s21, $0xb8;
	[tilespmem:$0x17400] =	vst v63  }
0x214: {  	_ =	swait.ge [sflag:s11], $0x2800  }
0x215: {  	[sflag:s11] =	ssyncset.done $0x0  }
0x216: {  	s0 =	rddreg [dreg:$0xf];
	[sflag:s11] =	ssyncadd.s32 $0xFFFFD800  }
0x217: {  	[hbm4b:s0+s2] =	stream.linear.scatter [tilespmem:s4], [sflag:$0xB], $0x2800, $0x38;
	[tilespmem:$0x17400] =	vst v63  }
0x218: {  	_ =	swait.ge [sflag:s7], $0x2800  }
0x219: {  	s0 =	sld [smem:$0x7FD]  }
0x21a: {  	[sflag:s7] =	ssyncset.done $0x0  }
0x21b: {  	[sflag:s7] =	ssyncadd.s32 $0xFFFFD800  }
0x21c: {  	[tilespmem:s4], [sflag:$0x2] =	stream.indirect.gather [hbm4b:s3+s21], $0x80, s0, s21, $0xb8;
	[tilespmem:$0x17400] =	vst v63  }
0x21d: {  	_ =	swait.ge [sflag:s28], $0x2800  }
0x21e: {  	[sflag:s28] =	ssyncset.done $0x0  }
0x21f: {  	s10 =	simm.s32 $0x5C00;
	s3 =	rddreg [dreg:$0x10];
	[sflag:s28] =	ssyncadd.s32 $0xFFFFD800  }
0x220: {  	[hbm4b:s3+s2] =	stream.linear.scatter [tilespmem:s10], [sflag:$0xC], $0x2800, $0x38;
	[tilespmem:$0x17400] =	vst v63  }
0x221: {  	_ =	swait.ge [sflag:s30], $0x2800  }
0x222: {  	[sflag:s30] =	ssyncset.done $0x0  }
0x223: {  	s10 =	rddreg [dreg:$0x11];
	[sflag:s30] =	ssyncadd.s32 $0xFFFFD800  }
0x224: {  	[hbm4b:s10+s2] =	stream.linear.scatter [tilespmem:s12], [sflag:$0xD], $0x2800, $0x38;
	[tilespmem:$0x17400] =	vst v63  }
0x225: {  	_ =	swait.ge [sflag:s31], $0x2800  }
0x226: {  	[sflag:s31] =	ssyncset.done $0x0  }
0x227: {  	s12 =	rddreg [dreg:$0x12];
	[sflag:s31] =	ssyncadd.s32 $0xFFFFD800  }
0x228: {  	[hbm4b:s12+s2] =	stream.linear.scatter [tilespmem:s24], [sflag:$0xE], $0x2800, $0x38;
	[tilespmem:$0x17400] =	vst v63  }
0x229: {  	_ =	swait.ge [sflag:s1], $0x2800  }
0x22a: {  	[sflag:s1] =	ssyncset.done $0x0  }
0x22b: {  	s21 =	rddreg [dreg:$0x13];
	[sflag:s1] =	ssyncadd.s32 $0xFFFFD800  }
0x22c: {  	[hbm4b:s21+s2] =	stream.linear.scatter [tilespmem:s23], [sflag:$0xF], $0x2800, $0x38;
	[tilespmem:$0x17400] =	vst v63  }
0x22d: {  	_ =	swait.ge [sflag:s29], $0x2800  }
0x22e: {  	[sflag:s29] =	ssyncset.done $0x0  }
0x22f: {  	s23 =	rddreg [dreg:$0x14];
	[sflag:s29] =	ssyncadd.s32 $0xFFFFD800  }
0x230: {  	[hbm4b:s23+s2] =	stream.linear.scatter [tilespmem:s22], [sflag:$0x10], $0x2800, $0x38;
	[tilespmem:$0x17400] =	vst v63  }
0x231: {  	_ =	swait.ge [sflag:s26], $0x2800  }
0x232: {  	[sflag:s26] =	ssyncset.done $0x0  }
0x233: {  	s24 =	rddreg [dreg:$0x15];
	[sflag:s26] =	ssyncadd.s32 $0xFFFFD800  }
0x234: {  	[hbm4b:s24+s2] =	stream.linear.scatter [tilespmem:s19], [sflag:$0x11], $0x2800, $0x38;
	[tilespmem:$0x17400] =	vst v63  }
0x235: {  	_ =	swait.ge [sflag:s25], $0x2800  }
0x236: {  	[sflag:s25] =	ssyncset.done $0x0  }
0x237: {  	s28 =	rddreg [dreg:$0x16];
	[sflag:s25] =	ssyncadd.s32 $0xFFFFD800  }
0x238: {  	[hbm4b:s28+s2] =	stream.linear.scatter [tilespmem:s15], [sflag:$0x12], $0x2800, $0x38;
	[tilespmem:$0x17400] =	vst v63  }
0x239: {  	_ =	swait.ge [sflag:s8], $0x2800  }
0x23a: {  	[sflag:s8] =	ssyncset.done $0x0  }
0x23b: {  	s29 =	rddreg [dreg:$0x17];
	[sflag:s8] =	ssyncadd.s32 $0xFFFFD800  }
0x23c: {  	[hbm4b:s29+s2] =	stream.linear.scatter [tilespmem:s5], [sflag:$0xA], $0x2800, $0x38;
	[tilespmem:$0x17400] =	vst v63  }
0x23d: {  	_ =	swait.ge [sflag:s11], $0x2800  }
0x23e: {  	[sflag:s11] =	ssyncset.done $0x0  }
0x23f: {  	s30 =	rddreg [dreg:$0x18];
	[sflag:s11] =	ssyncadd.s32 $0xFFFFD800  }
0x240: {  	[hbm4b:s30+s2] =	stream.linear.scatter [tilespmem:s4], [sflag:$0xB], $0x2800, $0x38;
	[tilespmem:$0x17400] =	vst v63  }
0x241: {  	_ =	swait.ge [sflag:s6], $0x2800  }
0x242: {  	[sflag:s6] =	ssyncset.done $0x0  }
0x243: {  	[sflag:s6] =	ssyncadd.s32 $0xFFFFD800  }
0x244: {  	_ =	swait.ge [sflag:s7], $0x2800  }
0x245: {  	[sflag:s7] =	ssyncset.done $0x0  }
0x246: {  	[sflag:s7] =	ssyncadd.s32 $0xFFFFD800  }
0x247: {  	_ =	swait.ge [sflag:s9], $0x2800  }
0x248: {  	[sflag:s9] =	ssyncset.done $0x0  }
0x249: {  	[sflag:s9] =	ssyncadd.s32 $0xFFFFD800  }
0x24a: {  	_ =	swait.ge [sflag:s13], $0x2800  }
0x24b: {  	[sflag:s13] =	ssyncset.done $0x0  }
0x24c: {  	[sflag:s13] =	ssyncadd.s32 $0xFFFFD800  }
0x24d: {  	_ =	swait.ge [sflag:s16], $0x2800  }
0x24e: {  	[sflag:s16] =	ssyncset.done $0x0  }
0x24f: {  	[sflag:s16] =	ssyncadd.s32 $0xFFFFD800  }
0x250: {  	_ =	swait.ge [sflag:s20], $0x2800  }
0x251: {  	[sflag:s20] =	ssyncset.done $0x0  }
0x252: {  	[sflag:s20] =	ssyncadd.s32 $0xFFFFD800  }
0x253: {  	_ =	swait.ge [sflag:s18], $0x2800  }
0x254: {  	[sflag:s18] =	ssyncset.done $0x0  }
0x255: {  	[sflag:s18] =	ssyncadd.s32 $0xFFFFD800  }
0x256: {  	_ =	swait.ge [sflag:s17], $0x2800  }
0x257: {  	[sflag:s17] =	ssyncset.done $0x0  }
0x258: {  	[sflag:s17] =	ssyncadd.s32 $0xFFFFD800  }
0x259: {  	_ =	swait.ge [sflag:s14], $0x2800  }
0x25a: {  	[sflag:s14] =	ssyncset.done $0x0  }
0x25b: {  	[sflag:s14] =	ssyncadd.s32 $0xFFFFD800  }
0x25c: {  	_ =	sfence.sel $0x180000  }
0x25d: {  	[bflag:$0x0] =	sbarrier.arrive $0xFFFF  }
0x25e: {  	_ =	strace $0x90000047  }
0x25f: {  	s31 =	stileid.u32;
	[bflag:$0x2] =	sbarrier.arrive $0xFFFF  }
0x260: {  	p0 =	sne.s32 s31, $0x0;
	s0 =	rddreg [dreg:$0x3]  }
0x261: {  	s0 =	sadd.s32 @!p0 $0x100000, s0  }
0x262: {  	[sflag:s0] =	ssyncadd.tile.s32 @!p0 $0x1;
	_ =	shalt  }
.Lfunc_end2:
_tile_overlayer_lowered:
.L_overlay_start_2:
0x263: {  	(tag) =	ssettag $0x2  }
0x264: {  	s0 =	rddreg [dreg:$0x0];
	s2 =	stileid.u32  }
0x265: {  	s1 =	rddreg [dreg:$0x1];
	p0 =	sne.s32 s2, $0x0  }
0x266: {  	s3 =	rddreg [dreg:$0x2];
	[bflag:$0x3] =	sbarrier.arrive $0xFFFF;
	s2 =	simm.s32 @!p0 $0x1C13  }
0x267: {  	[timem:s3], [sflag:s2] =	dma.local @!p0 [hbm:s0], s1  }
0x268: {  	s0 =	simm.s32 @!p0 $0x13  }
0x269: {  	_ =	swait.ge @!p0 [sflag:s0], s1  }
0x26a: {  	s1 =	ssub.s32 @!p0 $0x0, s1;
	[sflag:s0] =	ssyncset.done @!p0 $0x0  }
0x26b: {  	[sflag:s0] =	ssyncadd.s32 @!p0 s1  }
0x26c: {  	[bflag:$0x3] =	sbarrier.arrive $0xFFFF  }
0x26d: {  	_ =	shalt  }

</sc_bundles>
